<compile_context>
chip_gen: v7x
topology: tpu7x:2x2x1
jax: 0.10.2.dev20260603
libtpu: 0.0.44.dev20260713+nightly
codegen_flags: <defaults>
</compile_context>

<pallas_src>
import dataclasses
import functools

import jax
import jax.numpy as jnp
from jax.experimental import pallas as pl
from jax.experimental.pallas import tpu as pltpu
from jax.experimental.pallas import tpu_sc as plsc

B = 16
N = 512
C = 8
T = 17
TP = 32
L = 16
BI = 8


def _lookup_body(tabs, idx_blk, out_blk):
    @pl.loop(0, BI)
    def _(r):
        @plsc.parallel_loop(0, N, step=L, unroll=4)
        def _(l):
            iv = idx_blk[0, r, pl.ds(l, L)]
            for c in range(C):
                out_blk[0, c, r, pl.ds(l, L)] = plsc.load_gather(tabs[c], [iv])


@jax.jit
def _edge_encode(idx, emb):
    mesh = plsc.VectorSubcoreMesh(core_axis_name="c", subcore_axis_name="s")
    cp = pltpu.CompilerParams()
    if "needs_layout_passes" in pltpu.CompilerParams.__dataclass_fields__:
        cp = dataclasses.replace(cp, needs_layout_passes=False)

    @functools.partial(
        pl.kernel,
        out_type=jax.ShapeDtypeStruct((B, C, N, N), jnp.float32),
        mesh=mesh,
        scratch_types=[pltpu.VMEM((T, C), jnp.float32)]
        + [pltpu.VMEM((TP,), jnp.float32) for _ in range(C)],
        compiler_params=cp,
    )
    def k(emb_hbm, idx_hbm, out_hbm, emb_v, *tabs):
        pltpu.sync_copy(emb_hbm, emb_v)
        t_lo = jax.lax.iota(jnp.int32, L)
        t_hi = jnp.minimum(t_lo + L, T - 1)
        for c in range(C):
            cvec = jnp.full((L,), c, dtype=jnp.int32)
            tabs[c][pl.ds(0, L)] = plsc.load_gather(emb_v, [t_lo, cvec])
            tabs[c][pl.ds(L, L)] = plsc.load_gather(emb_v, [t_hi, cvec])
        pltpu.emit_pipeline(
            functools.partial(_lookup_body, tabs),
            grid=(B, N // BI),
            in_specs=[
                pl.BlockSpec((1, BI, N), index_map=lambda b, j: (b, j, 0))
            ],
            out_specs=[
                pl.BlockSpec((1, C, BI, N), index_map=lambda b, j: (b, 0, j, 0))
            ],
            core_axis_name=("c", "s"),
            dimension_semantics=(pltpu.PARALLEL, pltpu.PARALLEL),
        )(idx_hbm, out_hbm)

    return k(emb, idx)


def kernel(batch_full_edge_attr, emb):
    idx = batch_full_edge_attr.reshape(B, N, N).astype(jnp.int32)
    return _edge_encode(idx, emb.astype(jnp.float32))

# --- scband reference (transcript-rebuilt; emitter-appended) ---
"""Pipeline reference for scband-edge-encoder-56581899157744 (READ-ONLY COPY).

The authoritative reference and input builder live on the scoring server;
editing this copy changes nothing except your own understanding.
"""

import jax, jax.numpy as jnp
import numpy as np

NUM_TYPES = 16
OUT_CHANNELS = 8
PADDING_IDX = 0


def setup_inputs(seed: int = 0) -> dict:
    key = jax.random.key(seed)
    k1, k2 = jax.random.split(key)
    batch_full_edge_attr = jax.random.randint(k1, (16, 512, 512, 1), 0, NUM_TYPES + 1, dtype=jnp.int64 if jax.config.jax_enable_x64 else jnp.int32)
    emb = jax.random.normal(k2, (NUM_TYPES + 1, OUT_CHANNELS), dtype=jnp.float32)
    # padding_idx row is zeroed, matching nn.Embedding(padding_idx=0)
    emb = emb.at[PADDING_IDX].set(0.0)
    return {"batch_full_edge_attr": batch_full_edge_attr, "emb": emb}


def reference(batch_full_edge_attr, emb):
    B, N, N2, _ = batch_full_edge_attr.shape
    idx = batch_full_edge_attr[:, :, :, 0].reshape(-1)
    edge_h = jnp.take(emb, idx, axis=0)
    batch_full_edge_h = edge_h.reshape((B, N, N2, -1))
    batch_full_edge_h = jnp.transpose(batch_full_edge_h, (0, 3, 1, 2))
    return batch_full_edge_h

if __name__ == "__main__":
    import jax
    _d = setup_inputs()
    print(jax.jit(kernel)(*tuple(_d.values())))

</pallas_src>

<mosaic_0001>
#map = affine_map<(d0, d1) -> (0, 0)>
#map1 = affine_map<(d0, d1) -> (0, 0, 0)>
#map2 = affine_map<(d0, d1) -> (0, 0, 0, 0)>
module attributes {stable_mosaic.version = 14 : i64} {
  func.func @k(%arg0: i32, %arg1: i32, %arg2: memref<17x8xf32, #tpu.memory_space<hbm>>, %arg3: memref<16x512x512xi32, #tpu.memory_space<hbm>>, %arg4: memref<16x8x512x512xf32, #tpu.memory_space<hbm>>, %arg5: memref<17x8xf32, #tpu.memory_space<vmem>>, %arg6: memref<32xf32, #tpu.memory_space<vmem>>, %arg7: memref<32xf32, #tpu.memory_space<vmem>>, %arg8: memref<32xf32, #tpu.memory_space<vmem>>, %arg9: memref<32xf32, #tpu.memory_space<vmem>>, %arg10: memref<32xf32, #tpu.memory_space<vmem>>, %arg11: memref<32xf32, #tpu.memory_space<vmem>>, %arg12: memref<32xf32, #tpu.memory_space<vmem>>, %arg13: memref<32xf32, #tpu.memory_space<vmem>>) attributes {dimension_semantics = [#tpu.dimension_semantics<core_parallel>, #tpu.dimension_semantics<subcore_parallel>], iteration_bounds = array<i64: 2, 16>, scalar_prefetch = 0 : i64, scratch_operands = 9 : i64, tpu.core_type = #tpu.core_type<sc_vector_subcore>, window_params = [{transform_indices = #map}, {transform_indices = #map1}, {transform_indices = #map2}]} {
    "tpu.region"() ({
      %run_scoped3A = tpu.sem_alloc : memref<!tpu.dma_semaphore, #tpu.memory_space<semaphore_mem>>
      tpu.enqueue_dma source(%arg2 : memref<17x8xf32, #tpu.memory_space<hbm>>) target(%arg5 : memref<17x8xf32, #tpu.memory_space<vmem>>) target_semaphore(%run_scoped3A : memref<!tpu.dma_semaphore, #tpu.memory_space<semaphore_mem>>)
      tpu.wait_dma2 semaphore(%run_scoped3A : memref<!tpu.dma_semaphore, #tpu.memory_space<semaphore_mem>>) src(%arg2 : memref<17x8xf32, #tpu.memory_space<hbm>>) dst(%arg5 : memref<17x8xf32, #tpu.memory_space<vmem>>)
      tpu.yield
    }) : () -> ()
    %iota3A = tpu.iota {dimensions = array<i32: 0>} : vector<16xi32>
    %add3A = arith.constant 16 : i32
    %add3A_0 = vector.broadcast %add3A : i32 to vector<16xi32>
    %add3A_1 = arith.addi %iota3A, %add3A_0 : vector<16xi32>
    %min3A = arith.constant 16 : i32
    %min3A_2 = vector.broadcast %min3A : i32 to vector<16xi32>
    %min3A_3 = arith.minsi %add3A_1, %min3A_2 : vector<16xi32>
    %broadcast_in_dim3A = arith.constant 0 : i32
    %broadcast_in_dim3A_4 = vector.broadcast %broadcast_in_dim3A : i32 to vector<16xi32>
    %gather3A = tpu.vector_load_idx %arg5[%iota3A, %broadcast_in_dim3A_4] : memref<17x8xf32, #tpu.memory_space<vmem>>[vector<16xi32>, vector<16xi32>], vector<16xf32>,
    %swap3A = arith.constant 0 : index
    %swap3A_5 = tpu.vector_load %arg6[%swap3A] {strides = array<i32>} : memref<32xf32, #tpu.memory_space<vmem>>, vector<16xf32>,
    tpu.vector_store %arg6[%swap3A], %gather3A {strides = array<i32>} : memref<32xf32, #tpu.memory_space<vmem>>, vector<16xf32>,
    %gather3A_6 = tpu.vector_load_idx %arg5[%min3A_3, %broadcast_in_dim3A_4] : memref<17x8xf32, #tpu.memory_space<vmem>>[vector<16xi32>, vector<16xi32>], vector<16xf32>,
    %swap3A_7 = arith.constant 16 : index
    %swap3A_8 = tpu.vector_load %arg6[%swap3A_7] {strides = array<i32>} : memref<32xf32, #tpu.memory_space<vmem>>, vector<16xf32>,
    tpu.vector_store %arg6[%swap3A_7], %gather3A_6 {strides = array<i32>} : memref<32xf32, #tpu.memory_space<vmem>>, vector<16xf32>,
    %broadcast_in_dim3A_9 = arith.constant 1 : i32
    %broadcast_in_dim3A_10 = vector.broadcast %broadcast_in_dim3A_9 : i32 to vector<16xi32>
    %gather3A_11 = tpu.vector_load_idx %arg5[%iota3A, %broadcast_in_dim3A_10] : memref<17x8xf32, #tpu.memory_space<vmem>>[vector<16xi32>, vector<16xi32>], vector<16xf32>,
    %swap3A_12 = arith.constant 0 : index
    %swap3A_13 = tpu.vector_load %arg7[%swap3A_12] {strides = array<i32>} : memref<32xf32, #tpu.memory_space<vmem>>, vector<16xf32>,
    tpu.vector_store %arg7[%swap3A_12], %gather3A_11 {strides = array<i32>} : memref<32xf32, #tpu.memory_space<vmem>>, vector<16xf32>,
    %gather3A_14 = tpu.vector_load_idx %arg5[%min3A_3, %broadcast_in_dim3A_10] : memref<17x8xf32, #tpu.memory_space<vmem>>[vector<16xi32>, vector<16xi32>], vector<16xf32>,
    %swap3A_15 = arith.constant 16 : index
    %swap3A_16 = tpu.vector_load %arg7[%swap3A_15] {strides = array<i32>} : memref<32xf32, #tpu.memory_space<vmem>>, vector<16xf32>,
    tpu.vector_store %arg7[%swap3A_15], %gather3A_14 {strides = array<i32>} : memref<32xf32, #tpu.memory_space<vmem>>, vector<16xf32>,
    %broadcast_in_dim3A_17 = arith.constant 2 : i32
    %broadcast_in_dim3A_18 = vector.broadcast %broadcast_in_dim3A_17 : i32 to vector<16xi32>
    %gather3A_19 = tpu.vector_load_idx %arg5[%iota3A, %broadcast_in_dim3A_18] : memref<17x8xf32, #tpu.memory_space<vmem>>[vector<16xi32>, vector<16xi32>], vector<16xf32>,
    %swap3A_20 = arith.constant 0 : index
    %swap3A_21 = tpu.vector_load %arg8[%swap3A_20] {strides = array<i32>} : memref<32xf32, #tpu.memory_space<vmem>>, vector<16xf32>,
    tpu.vector_store %arg8[%swap3A_20], %gather3A_19 {strides = array<i32>} : memref<32xf32, #tpu.memory_space<vmem>>, vector<16xf32>,
    %gather3A_22 = tpu.vector_load_idx %arg5[%min3A_3, %broadcast_in_dim3A_18] : memref<17x8xf32, #tpu.memory_space<vmem>>[vector<16xi32>, vector<16xi32>], vector<16xf32>,
    %swap3A_23 = arith.constant 16 : index
    %swap3A_24 = tpu.vector_load %arg8[%swap3A_23] {strides = array<i32>} : memref<32xf32, #tpu.memory_space<vmem>>, vector<16xf32>,
    tpu.vector_store %arg8[%swap3A_23], %gather3A_22 {strides = array<i32>} : memref<32xf32, #tpu.memory_space<vmem>>, vector<16xf32>,
    %broadcast_in_dim3A_25 = arith.constant 3 : i32
    %broadcast_in_dim3A_26 = vector.broadcast %broadcast_in_dim3A_25 : i32 to vector<16xi32>
    %gather3A_27 = tpu.vector_load_idx %arg5[%iota3A, %broadcast_in_dim3A_26] : memref<17x8xf32, #tpu.memory_space<vmem>>[vector<16xi32>, vector<16xi32>], vector<16xf32>,
    %swap3A_28 = arith.constant 0 : index
    %swap3A_29 = tpu.vector_load %arg9[%swap3A_28] {strides = array<i32>} : memref<32xf32, #tpu.memory_space<vmem>>, vector<16xf32>,
    tpu.vector_store %arg9[%swap3A_28], %gather3A_27 {strides = array<i32>} : memref<32xf32, #tpu.memory_space<vmem>>, vector<16xf32>,
    %gather3A_30 = tpu.vector_load_idx %arg5[%min3A_3, %broadcast_in_dim3A_26] : memref<17x8xf32, #tpu.memory_space<vmem>>[vector<16xi32>, vector<16xi32>], vector<16xf32>,
    %swap3A_31 = arith.constant 16 : index
    %swap3A_32 = tpu.vector_load %arg9[%swap3A_31] {strides = array<i32>} : memref<32xf32, #tpu.memory_space<vmem>>, vector<16xf32>,
    tpu.vector_store %arg9[%swap3A_31], %gather3A_30 {strides = array<i32>} : memref<32xf32, #tpu.memory_space<vmem>>, vector<16xf32>,
    %broadcast_in_dim3A_33 = arith.constant 4 : i32
    %broadcast_in_dim3A_34 = vector.broadcast %broadcast_in_dim3A_33 : i32 to vector<16xi32>
    %gather3A_35 = tpu.vector_load_idx %arg5[%iota3A, %broadcast_in_dim3A_34] : memref<17x8xf32, #tpu.memory_space<vmem>>[vector<16xi32>, vector<16xi32>], vector<16xf32>,
    %swap3A_36 = arith.constant 0 : index
    %swap3A_37 = tpu.vector_load %arg10[%swap3A_36] {strides = array<i32>} : memref<32xf32, #tpu.memory_space<vmem>>, vector<16xf32>,
    tpu.vector_store %arg10[%swap3A_36], %gather3A_35 {strides = array<i32>} : memref<32xf32, #tpu.memory_space<vmem>>, vector<16xf32>,
    %gather3A_38 = tpu.vector_load_idx %arg5[%min3A_3, %broadcast_in_dim3A_34] : memref<17x8xf32, #tpu.memory_space<vmem>>[vector<16xi32>, vector<16xi32>], vector<16xf32>,
    %swap3A_39 = arith.constant 16 : index
    %swap3A_40 = tpu.vector_load %arg10[%swap3A_39] {strides = array<i32>} : memref<32xf32, #tpu.memory_space<vmem>>, vector<16xf32>,
    tpu.vector_store %arg10[%swap3A_39], %gather3A_38 {strides = array<i32>} : memref<32xf32, #tpu.memory_space<vmem>>, vector<16xf32>,
    %broadcast_in_dim3A_41 = arith.constant 5 : i32
    %broadcast_in_dim3A_42 = vector.broadcast %broadcast_in_dim3A_41 : i32 to vector<16xi32>
    %gather3A_43 = tpu.vector_load_idx %arg5[%iota3A, %broadcast_in_dim3A_42] : memref<17x8xf32, #tpu.memory_space<vmem>>[vector<16xi32>, vector<16xi32>], vector<16xf32>,
    %swap3A_44 = arith.constant 0 : index
    %swap3A_45 = tpu.vector_load %arg11[%swap3A_44] {strides = array<i32>} : memref<32xf32, #tpu.memory_space<vmem>>, vector<16xf32>,
    tpu.vector_store %arg11[%swap3A_44], %gather3A_43 {strides = array<i32>} : memref<32xf32, #tpu.memory_space<vmem>>, vector<16xf32>,
    %gather3A_46 = tpu.vector_load_idx %arg5[%min3A_3, %broadcast_in_dim3A_42] : memref<17x8xf32, #tpu.memory_space<vmem>>[vector<16xi32>, vector<16xi32>], vector<16xf32>,
    %swap3A_47 = arith.constant 16 : index
    %swap3A_48 = tpu.vector_load %arg11[%swap3A_47] {strides = array<i32>} : memref<32xf32, #tpu.memory_space<vmem>>, vector<16xf32>,
    tpu.vector_store %arg11[%swap3A_47], %gather3A_46 {strides = array<i32>} : memref<32xf32, #tpu.memory_space<vmem>>, vector<16xf32>,
    %broadcast_in_dim3A_49 = arith.constant 6 : i32
    %broadcast_in_dim3A_50 = vector.broadcast %broadcast_in_dim3A_49 : i32 to vector<16xi32>
    %gather3A_51 = tpu.vector_load_idx %arg5[%iota3A, %broadcast_in_dim3A_50] : memref<17x8xf32, #tpu.memory_space<vmem>>[vector<16xi32>, vector<16xi32>], vector<16xf32>,
    %swap3A_52 = arith.constant 0 : index
    %swap3A_53 = tpu.vector_load %arg12[%swap3A_52] {strides = array<i32>} : memref<32xf32, #tpu.memory_space<vmem>>, vector<16xf32>,
    tpu.vector_store %arg12[%swap3A_52], %gather3A_51 {strides = array<i32>} : memref<32xf32, #tpu.memory_space<vmem>>, vector<16xf32>,
    %gather3A_54 = tpu.vector_load_idx %arg5[%min3A_3, %broadcast_in_dim3A_50] : memref<17x8xf32, #tpu.memory_space<vmem>>[vector<16xi32>, vector<16xi32>], vector<16xf32>,
    %swap3A_55 = arith.constant 16 : index
    %swap3A_56 = tpu.vector_load %arg12[%swap3A_55] {strides = array<i32>} : memref<32xf32, #tpu.memory_space<vmem>>, vector<16xf32>,
    tpu.vector_store %arg12[%swap3A_55], %gather3A_54 {strides = array<i32>} : memref<32xf32, #tpu.memory_space<vmem>>, vector<16xf32>,
    %broadcast_in_dim3A_57 = arith.constant 7 : i32
    %broadcast_in_dim3A_58 = vector.broadcast %broadcast_in_dim3A_57 : i32 to vector<16xi32>
    %gather3A_59 = tpu.vector_load_idx %arg5[%iota3A, %broadcast_in_dim3A_58] : memref<17x8xf32, #tpu.memory_space<vmem>>[vector<16xi32>, vector<16xi32>], vector<16xf32>,
    %swap3A_60 = arith.constant 0 : index
    %swap3A_61 = tpu.vector_load %arg13[%swap3A_60] {strides = array<i32>} : memref<32xf32, #tpu.memory_space<vmem>>, vector<16xf32>,
    tpu.vector_store %arg13[%swap3A_60], %gather3A_59 {strides = array<i32>} : memref<32xf32, #tpu.memory_space<vmem>>, vector<16xf32>,
    %gather3A_62 = tpu.vector_load_idx %arg5[%min3A_3, %broadcast_in_dim3A_58] : memref<17x8xf32, #tpu.memory_space<vmem>>[vector<16xi32>, vector<16xi32>], vector<16xf32>,
    %swap3A_63 = arith.constant 16 : index
    %swap3A_64 = tpu.vector_load %arg13[%swap3A_63] {strides = array<i32>} : memref<32xf32, #tpu.memory_space<vmem>>, vector<16xf32>,
    tpu.vector_store %arg13[%swap3A_63], %gather3A_62 {strides = array<i32>} : memref<32xf32, #tpu.memory_space<vmem>>, vector<16xf32>,
    %mul3A = arith.constant 1 : i32
    %mul3A_65 = arith.muli %arg1, %mul3A : i32
    %add3A_66 = arith.constant 0 : i32
    %add3A_67 = arith.addi %add3A_66, %mul3A_65 : i32
    %mul3A_68 = arith.constant 16 : i32
    %mul3A_69 = arith.muli %arg0, %mul3A_68 : i32
    %add3A_70 = arith.addi %add3A_67, %mul3A_69 : i32
    %mul3A_71 = arith.constant 2 : i32
    %mul3A_72 = arith.muli %add3A_70, %mul3A_71 : i32
    "tpu.region"() ({
      %run_scoped3A = memref.alloca() : memref<2x1x8x512xi32, #tpu.memory_space<vmem>>
      %run_scoped3A_73 = tpu.sem_alloc : memref<2x!tpu.dma_semaphore, #tpu.memory_space<semaphore_mem>>
      %run_scoped3A_74 = memref.alloca() : memref<2x1x8x8x512xf32, #tpu.memory_space<vmem>>
      %run_scoped3A_75 = tpu.sem_alloc : memref<2x!tpu.dma_semaphore, #tpu.memory_space<semaphore_mem>>
      %add3A_76 = arith.constant 0 : i32
      %add3A_77 = arith.addi %add3A_76, %mul3A_72 : i32
      %select_n3A = arith.constant true
      %select_n3A_78 = arith.constant 0 : i32
      %select_n3A_79 = arith.constant -1 : i32
      %select_n3A_80 = arith.select %select_n3A, %select_n3A_79, %select_n3A_78 : i32
      %eq3A = arith.constant -1 : i32
      %eq3A_81 = arith.cmpi eq, %select_n3A_80, %eq3A : i32
      %select_n3A_82 = arith.constant 1 : i32
      %select_n3A_83 = arith.select %eq3A_81, %select_n3A_82, %select_n3A_80 : i32
      %select_n3A_84 = arith.constant 0 : i32
      %select_n3A_85 = arith.constant -1 : i32
      %select_n3A_86 = arith.select %eq3A_81, %select_n3A_85, %select_n3A_84 : i32
      %eq3A_87 = arith.constant -1 : i32
      %eq3A_88 = arith.cmpi eq, %select_n3A_86, %eq3A_87 : i32
      %select_n3A_89 = arith.constant 15 : i32
      %select_n3A_90 = arith.select %eq3A_88, %select_n3A_89, %select_n3A_86 : i32
      %add3A_91 = arith.constant 0 : i32
      %add3A_92 = arith.addi %select_n3A_90, %add3A_91 : i32
      %add3A_93 = arith.addi %select_n3A_83, %mul3A_72 : i32
      %select_n3A_94 = arith.constant true
      %select_n3A_95 = arith.constant 0 : i32
      %select_n3A_96 = arith.constant 1 : i32
      %select_n3A_97 = arith.select %select_n3A_94, %select_n3A_96, %select_n3A_95 : i32
      %eq3A_98 = arith.constant 2 : i32
      %eq3A_99 = arith.cmpi eq, %select_n3A_97, %eq3A_98 : i32
      %select_n3A_100 = arith.constant 0 : i32
      %select_n3A_101 = arith.select %eq3A_99, %select_n3A_100, %select_n3A_97 : i32
      %select_n3A_102 = arith.constant 0 : i32
      %select_n3A_103 = arith.constant 1 : i32
      %select_n3A_104 = arith.select %eq3A_99, %select_n3A_103, %select_n3A_102 : i32
      %eq3A_105 = arith.constant 16 : i32
      %eq3A_106 = arith.cmpi eq, %select_n3A_104, %eq3A_105 : i32
      %select_n3A_107 = arith.constant 0 : i32
      %select_n3A_108 = arith.select %eq3A_106, %select_n3A_107, %select_n3A_104 : i32
      %add3A_109 = arith.constant 0 : i32
      %add3A_110 = arith.addi %select_n3A_108, %add3A_109 : i32
      %add3A_111 = arith.addi %select_n3A_101, %mul3A_72 : i32
      %add3A_112 = arith.constant 1 : i32
      %add3A_113 = arith.addi %select_n3A_101, %add3A_112 : i32
      %select_n3A_114 = arith.constant true
      %select_n3A_115 = arith.select %select_n3A_114, %add3A_113, %select_n3A_101 : i32
      %eq3A_116 = arith.constant 2 : i32
      %eq3A_117 = arith.cmpi eq, %select_n3A_115, %eq3A_116 : i32
      %select_n3A_118 = arith.constant 0 : i32
      %select_n3A_119 = arith.select %eq3A_117, %select_n3A_118, %select_n3A_115 : i32
      %add3A_120 = arith.constant 1 : i32
      %add3A_121 = arith.addi %select_n3A_108, %add3A_120 : i32
      %select_n3A_122 = arith.select %eq3A_117, %add3A_121, %select_n3A_108 : i32
      %eq3A_123 = arith.constant 16 : i32
      %eq3A_124 = arith.cmpi eq, %select_n3A_122, %eq3A_123 : i32
      %select_n3A_125 = arith.constant 0 : i32
      %select_n3A_126 = arith.select %eq3A_124, %select_n3A_125, %select_n3A_122 : i32
      %add3A_127 = arith.constant 0 : i32
      %add3A_128 = arith.addi %select_n3A_126, %add3A_127 : i32
      %add3A_129 = arith.addi %select_n3A_119, %mul3A_72 : i32
      "tpu.trace_start"() <{level = 10 : i32, message = "ep_initialize_0"}> : () -> ()
      %rem3A = arith.constant 0 : i32
      %rem3A_130 = arith.constant 2 : i32
      %rem3A_131 = arith.remui %rem3A, %rem3A_130 : i32
      %mul3A_132 = arith.constant 8 : i32
      %mul3A_133 = arith.muli %mul3A_132, %add3A_77 : i32
      %dma_start3A = arith.constant 0 : i32
      %dma_start3A_134 = arith.constant 0 : i32
      %dma_start3A_135 = arith.constant 0 : i32
      %dma_start3A_136 = tpu.memref_slice %run_scoped3A[%rem3A_131, %dma_start3A, %dma_start3A_134, %dma_start3A_135] : memref<2x1x8x512xi32, #tpu.memory_space<vmem>> -> memref<1x1x8x512xi32, #tpu.memory_space<vmem>>
      %dma_start3A_137 = tpu.memref_squeeze %dma_start3A_136 : memref<1x1x8x512xi32, #tpu.memory_space<vmem>> -> memref<1x8x512xi32, #tpu.memory_space<vmem>>
      %dma_start3A_138 = arith.constant 0 : i32
      %dma_start3A_139 = arith.constant 0 : i32
      %dma_start3A_140 = tpu.memref_slice %arg3[%dma_start3A_138, %mul3A_133, %dma_start3A_139] : memref<16x512x512xi32, #tpu.memory_space<hbm>> -> memref<1x8x512xi32, #tpu.memory_space<hbm>>
      %dma_start3A_141 = tpu.memref_slice %run_scoped3A_73[%rem3A_131] : memref<2x!tpu.dma_semaphore, #tpu.memory_space<semaphore_mem>> -> memref<1x!tpu.dma_semaphore, #tpu.memory_space<semaphore_mem>>
      %dma_start3A_142 = tpu.memref_squeeze %dma_start3A_141 : memref<1x!tpu.dma_semaphore, #tpu.memory_space<semaphore_mem>> -> memref<!tpu.dma_semaphore, #tpu.memory_space<semaphore_mem>>
      %dma_start3A_143 = arith.constant 0 : i32
      %dma_start3A_144 = arith.constant 0 : i32
      %dma_start3A_145 = arith.constant 0 : i32
      %dma_start3A_146 = tpu.memref_slice %run_scoped3A[%rem3A_131, %dma_start3A_143, %dma_start3A_144, %dma_start3A_145] : memref<2x1x8x512xi32, #tpu.memory_space<vmem>> -> memref<1x1x8x512xi32, #tpu.memory_space<vmem>>
      %dma_start3A_147 = tpu.memref_squeeze %dma_start3A_146 : memref<1x1x8x512xi32, #tpu.memory_space<vmem>> -> memref<1x8x512xi32, #tpu.memory_space<vmem>>
      %dma_start3A_148 = arith.constant 0 : i32
      %dma_start3A_149 = arith.constant 0 : i32
      %dma_start3A_150 = tpu.memref_slice %arg3[%dma_start3A_148, %mul3A_133, %dma_start3A_149] : memref<16x512x512xi32, #tpu.memory_space<hbm>> -> memref<1x8x512xi32, #tpu.memory_space<hbm>>
      tpu.enqueue_dma source(%dma_start3A_150 : memref<1x8x512xi32, #tpu.memory_space<hbm>>) target(%dma_start3A_147 : memref<1x8x512xi32, #tpu.memory_space<vmem>>) target_semaphore(%dma_start3A_142 : memref<!tpu.dma_semaphore, #tpu.memory_space<semaphore_mem>>)
      %add3A_151 = arith.constant 0 : i32
      %add3A_152 = arith.constant 1 : i32
      %add3A_153 = arith.addi %add3A_151, %add3A_152 : i32
      %select_n3A_154 = arith.constant true
      %select_n3A_155 = arith.constant 0 : i32
      %select_n3A_156 = arith.select %select_n3A_154, %add3A_153, %select_n3A_155 : i32
      "tpu.trace_stop"() : () -> ()
      %scan3A = arith.constant 0 : i32
      %scan3A_157 = arith.constant 0 : i32
      %scan3A_158 = arith.constant 0 : i32
      %scan3A_159 = arith.constant 0 : i32
      %scan3A_160 = arith.constant 0 : i32
      %scan3A_161 = arith.constant 0 : i32
      %scan3A_162 = arith.constant 32 : i32
      %scan3A_163 = arith.addi %scan3A_161, %scan3A_162 : i32
      %scan3A_164 = arith.constant 1 : i32
      %scan3A_165:6 = scf.for %scan3A_263 = %scan3A_161 to %scan3A_163 step %scan3A_164 iter_args(%scan3A_264 = %select_n3A_156, %scan3A_265 = %scan3A, %scan3A_266 = %scan3A_157, %scan3A_267 = %scan3A_158, %scan3A_268 = %scan3A_159, %scan3A_269 = %scan3A_160) -> (i32, i32, i32, i32, i32, i32)  : i32 {
        %eq3A_270 = arith.constant 0 : i32
        %eq3A_271 = arith.cmpi eq, %scan3A_263, %eq3A_270 : i32
        %eq3A_272 = arith.constant 31 : i32
        %eq3A_273 = arith.cmpi eq, %scan3A_263, %eq3A_272 : i32
        %add3A_274 = arith.constant 0 : i32
        %add3A_275 = arith.addi %scan3A_268, %add3A_274 : i32
        %add3A_276 = arith.addi %scan3A_269, %mul3A_72 : i32
        %sub3A_277 = arith.constant 1 : i32
        %sub3A_278 = arith.subi %scan3A_269, %sub3A_277 : i32
        %select_n3A_279 = arith.constant true
        %select_n3A_280 = arith.select %select_n3A_279, %sub3A_278, %scan3A_269 : i32
        %eq3A_281 = arith.constant -1 : i32
        %eq3A_282 = arith.cmpi eq, %select_n3A_280, %eq3A_281 : i32
        %select_n3A_283 = arith.constant 1 : i32
        %select_n3A_284 = arith.select %eq3A_282, %select_n3A_283, %select_n3A_280 : i32
        %sub3A_285 = arith.constant 1 : i32
        %sub3A_286 = arith.subi %scan3A_268, %sub3A_285 : i32
        %select_n3A_287 = arith.select %eq3A_282, %sub3A_286, %scan3A_268 : i32
        %eq3A_288 = arith.constant -1 : i32
        %eq3A_289 = arith.cmpi eq, %select_n3A_287, %eq3A_288 : i32
        %select_n3A_290 = arith.constant 15 : i32
        %select_n3A_291 = arith.select %eq3A_289, %select_n3A_290, %select_n3A_287 : i32
        %add3A_292 = arith.constant 0 : i32
        %add3A_293 = arith.addi %select_n3A_291, %add3A_292 : i32
        %add3A_294 = arith.addi %select_n3A_284, %mul3A_72 : i32
        %add3A_295 = arith.constant 1 : i32
        %add3A_296 = arith.addi %scan3A_269, %add3A_295 : i32
        %select_n3A_297 = arith.constant true
        %select_n3A_298 = arith.select %select_n3A_297, %add3A_296, %scan3A_269 : i32
        %eq3A_299 = arith.constant 2 : i32
        %eq3A_300 = arith.cmpi eq, %select_n3A_298, %eq3A_299 : i32
        %select_n3A_301 = arith.constant 0 : i32
        %select_n3A_302 = arith.select %eq3A_300, %select_n3A_301, %select_n3A_298 : i32
        %add3A_303 = arith.constant 1 : i32
        %add3A_304 = arith.addi %scan3A_268, %add3A_303 : i32
        %select_n3A_305 = arith.select %eq3A_300, %add3A_304, %scan3A_268 : i32
        %eq3A_306 = arith.constant 16 : i32
        %eq3A_307 = arith.cmpi eq, %select_n3A_305, %eq3A_306 : i32
        %select_n3A_308 = arith.constant 0 : i32
        %select_n3A_309 = arith.select %eq3A_307, %select_n3A_308, %select_n3A_305 : i32
        %add3A_310 = arith.constant 0 : i32
        %add3A_311 = arith.addi %select_n3A_309, %add3A_310 : i32
        %add3A_312 = arith.addi %select_n3A_302, %mul3A_72 : i32
        %add3A_313 = arith.constant 1 : i32
        %add3A_314 = arith.addi %select_n3A_302, %add3A_313 : i32
        %select_n3A_315 = arith.constant true
        %select_n3A_316 = arith.select %select_n3A_315, %add3A_314, %select_n3A_302 : i32
        %eq3A_317 = arith.constant 2 : i32
        %eq3A_318 = arith.cmpi eq, %select_n3A_316, %eq3A_317 : i32
        %select_n3A_319 = arith.constant 0 : i32
        %select_n3A_320 = arith.select %eq3A_318, %select_n3A_319, %select_n3A_316 : i32
        %add3A_321 = arith.constant 1 : i32
        %add3A_322 = arith.addi %select_n3A_309, %add3A_321 : i32
        %select_n3A_323 = arith.select %eq3A_318, %add3A_322, %select_n3A_309 : i32
        %eq3A_324 = arith.constant 16 : i32
        %eq3A_325 = arith.cmpi eq, %select_n3A_323, %eq3A_324 : i32
        %select_n3A_326 = arith.constant 0 : i32
        %select_n3A_327 = arith.select %eq3A_325, %select_n3A_326, %select_n3A_323 : i32
        %add3A_328 = arith.constant 0 : i32
        %add3A_329 = arith.addi %select_n3A_327, %add3A_328 : i32
        %add3A_330 = arith.addi %select_n3A_320, %mul3A_72 : i32
        %ne3A = arith.cmpi ne, %add3A_275, %add3A_311 : i32
        %ne3A_331 = arith.cmpi ne, %add3A_276, %add3A_312 : i32
        %or3A = arith.constant false
        %or3A_332 = arith.ori %or3A, %ne3A : i1
        %or3A_333 = arith.ori %or3A_332, %ne3A_331 : i1
        %or3A_334 = arith.constant false
        %or3A_335 = arith.ori %or3A_333, %or3A_334 : i1
        %ge3A = arith.constant 31 : i32
        %ge3A_336 = arith.cmpi sge, %scan3A_263, %ge3A : i32
        %not3A = arith.constant true
        %not3A_337 = arith.xori %ge3A_336, %not3A : i1
        %and3A = arith.andi %or3A_335, %not3A_337 : i1
        %convert_element_type3A = arith.extui %and3A : i1 to i32
        %cond3A = arith.constant 0 : i32
        %cond3A_338 = arith.cmpi ne, %convert_element_type3A, %cond3A : i32
        scf.if %cond3A_338 {
          "tpu.trace_start"() <{level = 10 : i32, message = "ep_copy_in"}> : () -> ()
          %rem3A_483 = arith.constant 2 : i32
          %rem3A_484 = arith.remui %scan3A_264, %rem3A_483 : i32
          %mul3A_485 = arith.constant 1 : i32
          %mul3A_486 = arith.muli %mul3A_485, %add3A_311 : i32
          %mul3A_487 = arith.constant 8 : i32
          %mul3A_488 = arith.muli %mul3A_487, %add3A_312 : i32
          %dma_start3A_489 = arith.constant 0 : i32
          %dma_start3A_490 = arith.constant 0 : i32
          %dma_start3A_491 = arith.constant 0 : i32
          %dma_start3A_492 = tpu.memref_slice %run_scoped3A[%rem3A_484, %dma_start3A_489, %dma_start3A_490, %dma_start3A_491] : memref<2x1x8x512xi32, #tpu.memory_space<vmem>> -> memref<1x1x8x512xi32, #tpu.memory_space<vmem>>
          %dma_start3A_493 = tpu.memref_squeeze %dma_start3A_492 : memref<1x1x8x512xi32, #tpu.memory_space<vmem>> -> memref<1x8x512xi32, #tpu.memory_space<vmem>>
          %dma_start3A_494 = arith.constant 0 : i32
          %dma_start3A_495 = tpu.memref_slice %arg3[%mul3A_486, %mul3A_488, %dma_start3A_494] : memref<16x512x512xi32, #tpu.memory_space<hbm>> -> memref<1x8x512xi32, #tpu.memory_space<hbm>>
          %dma_start3A_496 = tpu.memref_slice %run_scoped3A_73[%rem3A_484] : memref<2x!tpu.dma_semaphore, #tpu.memory_space<semaphore_mem>> -> memref<1x!tpu.dma_semaphore, #tpu.memory_space<semaphore_mem>>
          %dma_start3A_497 = tpu.memref_squeeze %dma_start3A_496 : memref<1x!tpu.dma_semaphore, #tpu.memory_space<semaphore_mem>> -> memref<!tpu.dma_semaphore, #tpu.memory_space<semaphore_mem>>
          %dma_start3A_498 = arith.constant 0 : i32
          %dma_start3A_499 = arith.constant 0 : i32
          %dma_start3A_500 = arith.constant 0 : i32
          %dma_start3A_501 = tpu.memref_slice %run_scoped3A[%rem3A_484, %dma_start3A_498, %dma_start3A_499, %dma_start3A_500] : memref<2x1x8x512xi32, #tpu.memory_space<vmem>> -> memref<1x1x8x512xi32, #tpu.memory_space<vmem>>
          %dma_start3A_502 = tpu.memref_squeeze %dma_start3A_501 : memref<1x1x8x512xi32, #tpu.memory_space<vmem>> -> memref<1x8x512xi32, #tpu.memory_space<vmem>>
          %dma_start3A_503 = arith.constant 0 : i32
          %dma_start3A_504 = tpu.memref_slice %arg3[%mul3A_486, %mul3A_488, %dma_start3A_503] : memref<16x512x512xi32, #tpu.memory_space<hbm>> -> memref<1x8x512xi32, #tpu.memory_space<hbm>>
          tpu.enqueue_dma source(%dma_start3A_504 : memref<1x8x512xi32, #tpu.memory_space<hbm>>) target(%dma_start3A_502 : memref<1x8x512xi32, #tpu.memory_space<vmem>>) target_semaphore(%dma_start3A_497 : memref<!tpu.dma_semaphore, #tpu.memory_space<semaphore_mem>>)
          "tpu.trace_stop"() : () -> ()
        } else {
        }
        %and3A_339 = arith.constant true
        %and3A_340 = arith.andi %and3A, %and3A_339 : i1
        %add3A_341 = arith.constant 1 : i32
        %add3A_342 = arith.addi %scan3A_264, %add3A_341 : i32
        %select_n3A_343 = arith.select %and3A_340, %add3A_342, %scan3A_264 : i32
        %ne3A_344 = arith.cmpi ne, %add3A_275, %add3A_311 : i32
        %ne3A_345 = arith.cmpi ne, %add3A_276, %add3A_312 : i32
        %or3A_346 = arith.constant false
        %or3A_347 = arith.ori %or3A_346, %ne3A_344 : i1
        %or3A_348 = arith.constant false
        %or3A_349 = arith.ori %or3A_347, %or3A_348 : i1
        %or3A_350 = arith.ori %or3A_349, %ne3A_345 : i1
        %or3A_351 = arith.constant false
        %or3A_352 = arith.ori %or3A_350, %or3A_351 : i1
        %ge3A_353 = arith.constant 31 : i32
        %ge3A_354 = arith.cmpi sge, %scan3A_263, %ge3A_353 : i32
        %not3A_355 = arith.constant true
        %not3A_356 = arith.xori %ge3A_354, %not3A_355 : i1
        %and3A_357 = arith.andi %or3A_352, %not3A_356 : i1
        %ne3A_358 = arith.cmpi ne, %add3A_275, %add3A_293 : i32
        %ne3A_359 = arith.cmpi ne, %add3A_276, %add3A_294 : i32
        %or3A_360 = arith.constant false
        %or3A_361 = arith.ori %or3A_360, %ne3A_358 : i1
        %or3A_362 = arith.ori %or3A_361, %ne3A_359 : i1
        %or3A_363 = arith.constant false
        %or3A_364 = arith.ori %or3A_362, %or3A_363 : i1
        %or3A_365 = arith.ori %or3A_364, %eq3A_271 : i1
        %convert_element_type3A_366 = arith.extui %or3A_365 : i1 to i32
        %cond3A_367 = arith.constant 0 : i32
        %cond3A_368 = arith.cmpi ne, %convert_element_type3A_366, %cond3A_367 : i32
        scf.if %cond3A_368 {
          "tpu.trace_start"() <{level = 10 : i32, message = "ep_wait_in"}> : () -> ()
          %mul3A_483 = arith.constant 1 : i32
          %mul3A_484 = arith.muli %mul3A_483, %add3A_275 : i32
          %mul3A_485 = arith.constant 8 : i32
          %mul3A_486 = arith.muli %mul3A_485, %add3A_276 : i32
          %rem3A_487 = arith.constant 2 : i32
          %rem3A_488 = arith.remui %scan3A_265, %rem3A_487 : i32
          %dma_wait3A_489 = arith.constant 0 : i32
          %dma_wait3A_490 = arith.constant 0 : i32
          %dma_wait3A_491 = arith.constant 0 : i32
          %dma_wait3A_492 = tpu.memref_slice %run_scoped3A[%rem3A_488, %dma_wait3A_489, %dma_wait3A_490, %dma_wait3A_491] : memref<2x1x8x512xi32, #tpu.memory_space<vmem>> -> memref<1x1x8x512xi32, #tpu.memory_space<vmem>>
          %dma_wait3A_493 = tpu.memref_squeeze %dma_wait3A_492 : memref<1x1x8x512xi32, #tpu.memory_space<vmem>> -> memref<1x8x512xi32, #tpu.memory_space<vmem>>
          %dma_wait3A_494 = arith.constant 0 : i32
          %dma_wait3A_495 = tpu.memref_slice %arg3[%mul3A_484, %mul3A_486, %dma_wait3A_494] : memref<16x512x512xi32, #tpu.memory_space<hbm>> -> memref<1x8x512xi32, #tpu.memory_space<hbm>>
          %dma_wait3A_496 = tpu.memref_slice %run_scoped3A_73[%rem3A_488] : memref<2x!tpu.dma_semaphore, #tpu.memory_space<semaphore_mem>> -> memref<1x!tpu.dma_semaphore, #tpu.memory_space<semaphore_mem>>
          %dma_wait3A_497 = tpu.memref_squeeze %dma_wait3A_496 : memref<1x!tpu.dma_semaphore, #tpu.memory_space<semaphore_mem>> -> memref<!tpu.dma_semaphore, #tpu.memory_space<semaphore_mem>>
          %dma_wait3A_498 = arith.constant 0 : i32
          %dma_wait3A_499 = arith.constant 0 : i32
          %dma_wait3A_500 = arith.constant 0 : i32
          %dma_wait3A_501 = tpu.memref_slice %run_scoped3A[%rem3A_488, %dma_wait3A_498, %dma_wait3A_499, %dma_wait3A_500] : memref<2x1x8x512xi32, #tpu.memory_space<vmem>> -> memref<1x1x8x512xi32, #tpu.memory_space<vmem>>
          %dma_wait3A_502 = tpu.memref_squeeze %dma_wait3A_501 : memref<1x1x8x512xi32, #tpu.memory_space<vmem>> -> memref<1x8x512xi32, #tpu.memory_space<vmem>>
          %dma_wait3A_503 = arith.constant 0 : i32
          %dma_wait3A_504 = tpu.memref_slice %arg3[%mul3A_484, %mul3A_486, %dma_wait3A_503] : memref<16x512x512xi32, #tpu.memory_space<hbm>> -> memref<1x8x512xi32, #tpu.memory_space<hbm>>
          tpu.wait_dma2 semaphore(%dma_wait3A_497 : memref<!tpu.dma_semaphore, #tpu.memory_space<semaphore_mem>>) src(%dma_wait3A_504 : memref<1x8x512xi32, #tpu.memory_space<hbm>>) dst(%dma_wait3A_502 : memref<1x8x512xi32, #tpu.memory_space<vmem>>)
          "tpu.trace_stop"() : () -> ()
        } else {
        }
        %ne3A_369 = arith.cmpi ne, %add3A_275, %add3A_293 : i32
        %ne3A_370 = arith.cmpi ne, %add3A_276, %add3A_294 : i32
        %or3A_371 = arith.constant false
        %or3A_372 = arith.ori %or3A_371, %ne3A_369 : i1
        %or3A_373 = arith.constant false
        %or3A_374 = arith.ori %or3A_372, %or3A_373 : i1
        %or3A_375 = arith.ori %or3A_374, %ne3A_370 : i1
        %or3A_376 = arith.constant false
        %or3A_377 = arith.ori %or3A_375, %or3A_376 : i1
        %or3A_378 = arith.ori %or3A_377, %eq3A_271 : i1
        %convert_element_type3A_379 = arith.extui %or3A_378 : i1 to i32
        %cond3A_380 = arith.constant 0 : i32
        %cond3A_381 = arith.cmpi ne, %convert_element_type3A_379, %cond3A_380 : i32
        scf.if %cond3A_381 {
        } else {
        }
        %rem3A_382 = arith.constant 2 : i32
        %rem3A_383 = arith.remui %scan3A_265, %rem3A_382 : i32
        %rem3A_384 = arith.constant 2 : i32
        %rem3A_385 = arith.remui %scan3A_266, %rem3A_384 : i32
        "tpu.trace_start"() <{level = 10 : i32, message = "ep_run_kernel"}> : () -> ()
        %scan3A_386 = arith.constant 0 : i32
        %scan3A_387 = arith.constant 8 : i32
        %scan3A_388 = arith.addi %scan3A_386, %scan3A_387 : i32
        %scan3A_389 = arith.constant 1 : i32
        scf.for %scan3A_483 = %scan3A_386 to %scan3A_388 step %scan3A_389  : i32 {
          %mul3A_484 = arith.constant 1 : i32
          %mul3A_485 = arith.muli %scan3A_483, %mul3A_484 : i32
          %add3A_486 = arith.constant 0 : i32
          %add3A_487 = arith.addi %add3A_486, %mul3A_485 : i32
          %parallel_loop3A = arith.constant 0 : i32
          %parallel_loop3A_488 = arith.constant 512 : i32
          %parallel_loop3A_489 = arith.constant 16 : i32
          scf.for %parallel_loop3A_490 = %parallel_loop3A to %parallel_loop3A_488 step %parallel_loop3A_489  : i32 {
            %parallel_loop3A_491 = arith.constant 0 : i32
            %parallel_loop3A_492 = arith.constant 0 : i32
            %parallel_loop3A_493 = arith.constant 0 : i32
            %parallel_loop3A_494 = arith.constant 0 : i32
            %parallel_loop3A_495 = tpu.memref_slice %run_scoped3A[%rem3A_383, %parallel_loop3A_492, %parallel_loop3A_493, %parallel_loop3A_494] : memref<2x1x8x512xi32, #tpu.memory_space<vmem>> -> memref<1x1x8x512xi32, #tpu.memory_space<vmem>>
            %parallel_loop3A_496 = tpu.memref_squeeze %parallel_loop3A_495 : memref<1x1x8x512xi32, #tpu.memory_space<vmem>> -> memref<1x8x512xi32, #tpu.memory_space<vmem>>
            %parallel_loop3A_497 = arith.index_cast %parallel_loop3A_491 : i32 to index
            %parallel_loop3A_498 = arith.index_cast %add3A_487 : i32 to index
            %parallel_loop3A_499 = arith.index_cast %parallel_loop3A_490 : i32 to index
            %parallel_loop3A_500 = tpu.vector_load %parallel_loop3A_496[%parallel_loop3A_497, %parallel_loop3A_498, %parallel_loop3A_499] {strides = array<i32>} : memref<1x8x512xi32, #tpu.memory_space<vmem>>, vector<16xi32>,
            %parallel_loop3A_501 = tpu.vector_load_idx %arg6[%parallel_loop3A_500] : memref<32xf32, #tpu.memory_space<vmem>>[vector<16xi32>], vector<16xf32>,
            %parallel_loop3A_502 = arith.constant 0 : i32
            %parallel_loop3A_503 = arith.constant 0 : i32
            %parallel_loop3A_504 = arith.constant 0 : i32
            %parallel_loop3A_505 = arith.constant 0 : i32
            %parallel_loop3A_506 = arith.constant 0 : i32
            %parallel_loop3A_507 = arith.constant 0 : i32
            %parallel_loop3A_508 = tpu.memref_slice %run_scoped3A_74[%rem3A_385, %parallel_loop3A_504, %parallel_loop3A_505, %parallel_loop3A_506, %parallel_loop3A_507] : memref<2x1x8x8x512xf32, #tpu.memory_space<vmem>> -> memref<1x1x8x8x512xf32, #tpu.memory_space<vmem>>
            %parallel_loop3A_509 = tpu.memref_squeeze %parallel_loop3A_508 : memref<1x1x8x8x512xf32, #tpu.memory_space<vmem>> -> memref<1x8x8x512xf32, #tpu.memory_space<vmem>>
            %parallel_loop3A_510 = arith.index_cast %parallel_loop3A_502 : i32 to index
            %parallel_loop3A_511 = arith.index_cast %parallel_loop3A_503 : i32 to index
            %parallel_loop3A_512 = arith.index_cast %add3A_487 : i32 to index
            %parallel_loop3A_513 = arith.index_cast %parallel_loop3A_490 : i32 to index
            %parallel_loop3A_514 = tpu.vector_load %parallel_loop3A_509[%parallel_loop3A_510, %parallel_loop3A_511, %parallel_loop3A_512, %parallel_loop3A_513] {strides = array<i32>} : memref<1x8x8x512xf32, #tpu.memory_space<vmem>>, vector<16xf32>,
            tpu.vector_store %parallel_loop3A_509[%parallel_loop3A_510, %parallel_loop3A_511, %parallel_loop3A_512, %parallel_loop3A_513], %parallel_loop3A_501 {strides = array<i32>} : memref<1x8x8x512xf32, #tpu.memory_space<vmem>>, vector<16xf32>,
            %parallel_loop3A_515 = tpu.vector_load_idx %arg7[%parallel_loop3A_500] : memref<32xf32, #tpu.memory_space<vmem>>[vector<16xi32>], vector<16xf32>,
            %parallel_loop3A_516 = arith.constant 0 : i32
            %parallel_loop3A_517 = arith.constant 1 : i32
            %parallel_loop3A_518 = arith.constant 0 : i32
            %parallel_loop3A_519 = arith.constant 0 : i32
            %parallel_loop3A_520 = arith.constant 0 : i32
            %parallel_loop3A_521 = arith.constant 0 : i32
            %parallel_loop3A_522 = tpu.memref_slice %run_scoped3A_74[%rem3A_385, %parallel_loop3A_518, %parallel_loop3A_519, %parallel_loop3A_520, %parallel_loop3A_521] : memref<2x1x8x8x512xf32, #tpu.memory_space<vmem>> -> memref<1x1x8x8x512xf32, #tpu.memory_space<vmem>>
            %parallel_loop3A_523 = tpu.memref_squeeze %parallel_loop3A_522 : memref<1x1x8x8x512xf32, #tpu.memory_space<vmem>> -> memref<1x8x8x512xf32, #tpu.memory_space<vmem>>
            %parallel_loop3A_524 = arith.index_cast %parallel_loop3A_516 : i32 to index
            %parallel_loop3A_525 = arith.index_cast %parallel_loop3A_517 : i32 to index
            %parallel_loop3A_526 = arith.index_cast %add3A_487 : i32 to index
            %parallel_loop3A_527 = arith.index_cast %parallel_loop3A_490 : i32 to index
            %parallel_loop3A_528 = tpu.vector_load %parallel_loop3A_523[%parallel_loop3A_524, %parallel_loop3A_525, %parallel_loop3A_526, %parallel_loop3A_527] {strides = array<i32>} : memref<1x8x8x512xf32, #tpu.memory_space<vmem>>, vector<16xf32>,
            tpu.vector_store %parallel_loop3A_523[%parallel_loop3A_524, %parallel_loop3A_525, %parallel_loop3A_526, %parallel_loop3A_527], %parallel_loop3A_515 {strides = array<i32>} : memref<1x8x8x512xf32, #tpu.memory_space<vmem>>, vector<16xf32>,
            %parallel_loop3A_529 = tpu.vector_load_idx %arg8[%parallel_loop3A_500] : memref<32xf32, #tpu.memory_space<vmem>>[vector<16xi32>], vector<16xf32>,
            %parallel_loop3A_530 = arith.constant 0 : i32
            %parallel_loop3A_531 = arith.constant 2 : i32
            %parallel_loop3A_532 = arith.constant 0 : i32
            %parallel_loop3A_533 = arith.constant 0 : i32
            %parallel_loop3A_534 = arith.constant 0 : i32
            %parallel_loop3A_535 = arith.constant 0 : i32
            %parallel_loop3A_536 = tpu.memref_slice %run_scoped3A_74[%rem3A_385, %parallel_loop3A_532, %parallel_loop3A_533, %parallel_loop3A_534, %parallel_loop3A_535] : memref<2x1x8x8x512xf32, #tpu.memory_space<vmem>> -> memref<1x1x8x8x512xf32, #tpu.memory_space<vmem>>
            %parallel_loop3A_537 = tpu.memref_squeeze %parallel_loop3A_536 : memref<1x1x8x8x512xf32, #tpu.memory_space<vmem>> -> memref<1x8x8x512xf32, #tpu.memory_space<vmem>>
            %parallel_loop3A_538 = arith.index_cast %parallel_loop3A_530 : i32 to index
            %parallel_loop3A_539 = arith.index_cast %parallel_loop3A_531 : i32 to index
            %parallel_loop3A_540 = arith.index_cast %add3A_487 : i32 to index
            %parallel_loop3A_541 = arith.index_cast %parallel_loop3A_490 : i32 to index
            %parallel_loop3A_542 = tpu.vector_load %parallel_loop3A_537[%parallel_loop3A_538, %parallel_loop3A_539, %parallel_loop3A_540, %parallel_loop3A_541] {strides = array<i32>} : memref<1x8x8x512xf32, #tpu.memory_space<vmem>>, vector<16xf32>,
            tpu.vector_store %parallel_loop3A_537[%parallel_loop3A_538, %parallel_loop3A_539, %parallel_loop3A_540, %parallel_loop3A_541], %parallel_loop3A_529 {strides = array<i32>} : memref<1x8x8x512xf32, #tpu.memory_space<vmem>>, vector<16xf32>,
            %parallel_loop3A_543 = tpu.vector_load_idx %arg9[%parallel_loop3A_500] : memref<32xf32, #tpu.memory_space<vmem>>[vector<16xi32>], vector<16xf32>,
            %parallel_loop3A_544 = arith.constant 0 : i32
            %parallel_loop3A_545 = arith.constant 3 : i32
            %parallel_loop3A_546 = arith.constant 0 : i32
            %parallel_loop3A_547 = arith.constant 0 : i32
            %parallel_loop3A_548 = arith.constant 0 : i32
            %parallel_loop3A_549 = arith.constant 0 : i32
            %parallel_loop3A_550 = tpu.memref_slice %run_scoped3A_74[%rem3A_385, %parallel_loop3A_546, %parallel_loop3A_547, %parallel_loop3A_548, %parallel_loop3A_549] : memref<2x1x8x8x512xf32, #tpu.memory_space<vmem>> -> memref<1x1x8x8x512xf32, #tpu.memory_space<vmem>>
            %parallel_loop3A_551 = tpu.memref_squeeze %parallel_loop3A_550 : memref<1x1x8x8x512xf32, #tpu.memory_space<vmem>> -> memref<1x8x8x512xf32, #tpu.memory_space<vmem>>
            %parallel_loop3A_552 = arith.index_cast %parallel_loop3A_544 : i32 to index
            %parallel_loop3A_553 = arith.index_cast %parallel_loop3A_545 : i32 to index
            %parallel_loop3A_554 = arith.index_cast %add3A_487 : i32 to index
            %parallel_loop3A_555 = arith.index_cast %parallel_loop3A_490 : i32 to index
            %parallel_loop3A_556 = tpu.vector_load %parallel_loop3A_551[%parallel_loop3A_552, %parallel_loop3A_553, %parallel_loop3A_554, %parallel_loop3A_555] {strides = array<i32>} : memref<1x8x8x512xf32, #tpu.memory_space<vmem>>, vector<16xf32>,
            tpu.vector_store %parallel_loop3A_551[%parallel_loop3A_552, %parallel_loop3A_553, %parallel_loop3A_554, %parallel_loop3A_555], %parallel_loop3A_543 {strides = array<i32>} : memref<1x8x8x512xf32, #tpu.memory_space<vmem>>, vector<16xf32>,
            %parallel_loop3A_557 = tpu.vector_load_idx %arg10[%parallel_loop3A_500] : memref<32xf32, #tpu.memory_space<vmem>>[vector<16xi32>], vector<16xf32>,
            %parallel_loop3A_558 = arith.constant 0 : i32
            %parallel_loop3A_559 = arith.constant 4 : i32
            %parallel_loop3A_560 = arith.constant 0 : i32
            %parallel_loop3A_561 = arith.constant 0 : i32
            %parallel_loop3A_562 = arith.constant 0 : i32
            %parallel_loop3A_563 = arith.constant 0 : i32
            %parallel_loop3A_564 = tpu.memref_slice %run_scoped3A_74[%rem3A_385, %parallel_loop3A_560, %parallel_loop3A_561, %parallel_loop3A_562, %parallel_loop3A_563] : memref<2x1x8x8x512xf32, #tpu.memory_space<vmem>> -> memref<1x1x8x8x512xf32, #tpu.memory_space<vmem>>
            %parallel_loop3A_565 = tpu.memref_squeeze %parallel_loop3A_564 : memref<1x1x8x8x512xf32, #tpu.memory_space<vmem>> -> memref<1x8x8x512xf32, #tpu.memory_space<vmem>>
            %parallel_loop3A_566 = arith.index_cast %parallel_loop3A_558 : i32 to index
            %parallel_loop3A_567 = arith.index_cast %parallel_loop3A_559 : i32 to index
            %parallel_loop3A_568 = arith.index_cast %add3A_487 : i32 to index
            %parallel_loop3A_569 = arith.index_cast %parallel_loop3A_490 : i32 to index
            %parallel_loop3A_570 = tpu.vector_load %parallel_loop3A_565[%parallel_loop3A_566, %parallel_loop3A_567, %parallel_loop3A_568, %parallel_loop3A_569] {strides = array<i32>} : memref<1x8x8x512xf32, #tpu.memory_space<vmem>>, vector<16xf32>,
            tpu.vector_store %parallel_loop3A_565[%parallel_loop3A_566, %parallel_loop3A_567, %parallel_loop3A_568, %parallel_loop3A_569], %parallel_loop3A_557 {strides = array<i32>} : memref<1x8x8x512xf32, #tpu.memory_space<vmem>>, vector<16xf32>,
            %parallel_loop3A_571 = tpu.vector_load_idx %arg11[%parallel_loop3A_500] : memref<32xf32, #tpu.memory_space<vmem>>[vector<16xi32>], vector<16xf32>,
            %parallel_loop3A_572 = arith.constant 0 : i32
            %parallel_loop3A_573 = arith.constant 5 : i32
            %parallel_loop3A_574 = arith.constant 0 : i32
            %parallel_loop3A_575 = arith.constant 0 : i32
            %parallel_loop3A_576 = arith.constant 0 : i32
            %parallel_loop3A_577 = arith.constant 0 : i32
            %parallel_loop3A_578 = tpu.memref_slice %run_scoped3A_74[%rem3A_385, %parallel_loop3A_574, %parallel_loop3A_575, %parallel_loop3A_576, %parallel_loop3A_577] : memref<2x1x8x8x512xf32, #tpu.memory_space<vmem>> -> memref<1x1x8x8x512xf32, #tpu.memory_space<vmem>>
            %parallel_loop3A_579 = tpu.memref_squeeze %parallel_loop3A_578 : memref<1x1x8x8x512xf32, #tpu.memory_space<vmem>> -> memref<1x8x8x512xf32, #tpu.memory_space<vmem>>
            %parallel_loop3A_580 = arith.index_cast %parallel_loop3A_572 : i32 to index
            %parallel_loop3A_581 = arith.index_cast %parallel_loop3A_573 : i32 to index
            %parallel_loop3A_582 = arith.index_cast %add3A_487 : i32 to index
            %parallel_loop3A_583 = arith.index_cast %parallel_loop3A_490 : i32 to index
            %parallel_loop3A_584 = tpu.vector_load %parallel_loop3A_579[%parallel_loop3A_580, %parallel_loop3A_581, %parallel_loop3A_582, %parallel_loop3A_583] {strides = array<i32>} : memref<1x8x8x512xf32, #tpu.memory_space<vmem>>, vector<16xf32>,
            tpu.vector_store %parallel_loop3A_579[%parallel_loop3A_580, %parallel_loop3A_581, %parallel_loop3A_582, %parallel_loop3A_583], %parallel_loop3A_571 {strides = array<i32>} : memref<1x8x8x512xf32, #tpu.memory_space<vmem>>, vector<16xf32>,
            %parallel_loop3A_585 = tpu.vector_load_idx %arg12[%parallel_loop3A_500] : memref<32xf32, #tpu.memory_space<vmem>>[vector<16xi32>], vector<16xf32>,
            %parallel_loop3A_586 = arith.constant 0 : i32
            %parallel_loop3A_587 = arith.constant 6 : i32
            %parallel_loop3A_588 = arith.constant 0 : i32
            %parallel_loop3A_589 = arith.constant 0 : i32
            %parallel_loop3A_590 = arith.constant 0 : i32
            %parallel_loop3A_591 = arith.constant 0 : i32
            %parallel_loop3A_592 = tpu.memref_slice %run_scoped3A_74[%rem3A_385, %parallel_loop3A_588, %parallel_loop3A_589, %parallel_loop3A_590, %parallel_loop3A_591] : memref<2x1x8x8x512xf32, #tpu.memory_space<vmem>> -> memref<1x1x8x8x512xf32, #tpu.memory_space<vmem>>
            %parallel_loop3A_593 = tpu.memref_squeeze %parallel_loop3A_592 : memref<1x1x8x8x512xf32, #tpu.memory_space<vmem>> -> memref<1x8x8x512xf32, #tpu.memory_space<vmem>>
            %parallel_loop3A_594 = arith.index_cast %parallel_loop3A_586 : i32 to index
            %parallel_loop3A_595 = arith.index_cast %parallel_loop3A_587 : i32 to index
            %parallel_loop3A_596 = arith.index_cast %add3A_487 : i32 to index
            %parallel_loop3A_597 = arith.index_cast %parallel_loop3A_490 : i32 to index
            %parallel_loop3A_598 = tpu.vector_load %parallel_loop3A_593[%parallel_loop3A_594, %parallel_loop3A_595, %parallel_loop3A_596, %parallel_loop3A_597] {strides = array<i32>} : memref<1x8x8x512xf32, #tpu.memory_space<vmem>>, vector<16xf32>,
            tpu.vector_store %parallel_loop3A_593[%parallel_loop3A_594, %parallel_loop3A_595, %parallel_loop3A_596, %parallel_loop3A_597], %parallel_loop3A_585 {strides = array<i32>} : memref<1x8x8x512xf32, #tpu.memory_space<vmem>>, vector<16xf32>,
            %parallel_loop3A_599 = tpu.vector_load_idx %arg13[%parallel_loop3A_500] : memref<32xf32, #tpu.memory_space<vmem>>[vector<16xi32>], vector<16xf32>,
            %parallel_loop3A_600 = arith.constant 0 : i32
            %parallel_loop3A_601 = arith.constant 7 : i32
            %parallel_loop3A_602 = arith.constant 0 : i32
            %parallel_loop3A_603 = arith.constant 0 : i32
            %parallel_loop3A_604 = arith.constant 0 : i32
            %parallel_loop3A_605 = arith.constant 0 : i32
            %parallel_loop3A_606 = tpu.memref_slice %run_scoped3A_74[%rem3A_385, %parallel_loop3A_602, %parallel_loop3A_603, %parallel_loop3A_604, %parallel_loop3A_605] : memref<2x1x8x8x512xf32, #tpu.memory_space<vmem>> -> memref<1x1x8x8x512xf32, #tpu.memory_space<vmem>>
            %parallel_loop3A_607 = tpu.memref_squeeze %parallel_loop3A_606 : memref<1x1x8x8x512xf32, #tpu.memory_space<vmem>> -> memref<1x8x8x512xf32, #tpu.memory_space<vmem>>
            %parallel_loop3A_608 = arith.index_cast %parallel_loop3A_600 : i32 to index
            %parallel_loop3A_609 = arith.index_cast %parallel_loop3A_601 : i32 to index
            %parallel_loop3A_610 = arith.index_cast %add3A_487 : i32 to index
            %parallel_loop3A_611 = arith.index_cast %parallel_loop3A_490 : i32 to index
            %parallel_loop3A_612 = tpu.vector_load %parallel_loop3A_607[%parallel_loop3A_608, %parallel_loop3A_609, %parallel_loop3A_610, %parallel_loop3A_611] {strides = array<i32>} : memref<1x8x8x512xf32, #tpu.memory_space<vmem>>, vector<16xf32>,
            tpu.vector_store %parallel_loop3A_607[%parallel_loop3A_608, %parallel_loop3A_609, %parallel_loop3A_610, %parallel_loop3A_611], %parallel_loop3A_599 {strides = array<i32>} : memref<1x8x8x512xf32, #tpu.memory_space<vmem>>, vector<16xf32>,
          } {sc.loop_unroll_factor = 4 : i64, sc.parallel_access}
        }
        %scan3A_390 = arith.constant 8 : i32
        "tpu.trace_stop"() : () -> ()
        %ne3A_391 = arith.cmpi ne, %add3A_275, %add3A_311 : i32
        %ne3A_392 = arith.cmpi ne, %add3A_276, %add3A_312 : i32
        %or3A_393 = arith.constant false
        %or3A_394 = arith.ori %or3A_393, %ne3A_391 : i1
        %or3A_395 = arith.ori %or3A_394, %ne3A_392 : i1
        %or3A_396 = arith.constant false
        %or3A_397 = arith.ori %or3A_395, %or3A_396 : i1
        %or3A_398 = arith.ori %or3A_397, %eq3A_273 : i1
        %convert_element_type3A_399 = arith.extui %or3A_398 : i1 to i32
        %cond3A_400 = arith.constant 0 : i32
        %cond3A_401 = arith.cmpi ne, %convert_element_type3A_399, %cond3A_400 : i32
        scf.if %cond3A_401 {
        } else {
        }
        %and3A_402 = arith.constant false
        %and3A_403 = arith.andi %or3A_398, %and3A_402 : i1
        %ne3A_404 = arith.cmpi ne, %add3A_275, %add3A_311 : i32
        %ne3A_405 = arith.cmpi ne, %add3A_276, %add3A_312 : i32
        %or3A_406 = arith.constant false
        %or3A_407 = arith.ori %or3A_406, %ne3A_404 : i1
        %or3A_408 = arith.constant false
        %or3A_409 = arith.ori %or3A_407, %or3A_408 : i1
        %or3A_410 = arith.ori %or3A_409, %ne3A_405 : i1
        %or3A_411 = arith.constant false
        %or3A_412 = arith.ori %or3A_410, %or3A_411 : i1
        %or3A_413 = arith.ori %or3A_412, %eq3A_273 : i1
        %convert_element_type3A_414 = arith.extui %or3A_413 : i1 to i32
        %cond3A_415 = arith.constant 0 : i32
        %cond3A_416 = arith.cmpi ne, %convert_element_type3A_414, %cond3A_415 : i32
        scf.if %cond3A_416 {
          "tpu.trace_start"() <{level = 10 : i32, message = "ep_copy_out"}> : () -> ()
          %rem3A_483 = arith.constant 2 : i32
          %rem3A_484 = arith.remui %scan3A_266, %rem3A_483 : i32
          %mul3A_485 = arith.constant 1 : i32
          %mul3A_486 = arith.muli %mul3A_485, %add3A_275 : i32
          %mul3A_487 = arith.constant 8 : i32
          %mul3A_488 = arith.muli %mul3A_487, %add3A_276 : i32
          %dma_start3A_489 = arith.constant 0 : i32
          %dma_start3A_490 = arith.constant 0 : i32
          %dma_start3A_491 = arith.constant 0 : i32
          %dma_start3A_492 = arith.constant 0 : i32
          %dma_start3A_493 = tpu.memref_slice %run_scoped3A_74[%rem3A_484, %dma_start3A_489, %dma_start3A_490, %dma_start3A_491, %dma_start3A_492] : memref<2x1x8x8x512xf32, #tpu.memory_space<vmem>> -> memref<1x1x8x8x512xf32, #tpu.memory_space<vmem>>
          %dma_start3A_494 = tpu.memref_squeeze %dma_start3A_493 : memref<1x1x8x8x512xf32, #tpu.memory_space<vmem>> -> memref<1x8x8x512xf32, #tpu.memory_space<vmem>>
          %dma_start3A_495 = arith.constant 0 : i32
          %dma_start3A_496 = arith.constant 0 : i32
          %dma_start3A_497 = tpu.memref_slice %arg4[%mul3A_486, %dma_start3A_495, %mul3A_488, %dma_start3A_496] : memref<16x8x512x512xf32, #tpu.memory_space<hbm>> -> memref<1x8x8x512xf32, #tpu.memory_space<hbm>>
          %dma_start3A_498 = tpu.memref_slice %run_scoped3A_75[%rem3A_484] : memref<2x!tpu.dma_semaphore, #tpu.memory_space<semaphore_mem>> -> memref<1x!tpu.dma_semaphore, #tpu.memory_space<semaphore_mem>>
          %dma_start3A_499 = tpu.memref_squeeze %dma_start3A_498 : memref<1x!tpu.dma_semaphore, #tpu.memory_space<semaphore_mem>> -> memref<!tpu.dma_semaphore, #tpu.memory_space<semaphore_mem>>
          %dma_start3A_500 = arith.constant 0 : i32
          %dma_start3A_501 = arith.constant 0 : i32
          %dma_start3A_502 = tpu.memref_slice %arg4[%mul3A_486, %dma_start3A_500, %mul3A_488, %dma_start3A_501] : memref<16x8x512x512xf32, #tpu.memory_space<hbm>> -> memref<1x8x8x512xf32, #tpu.memory_space<hbm>>
          %dma_start3A_503 = arith.constant 0 : i32
          %dma_start3A_504 = arith.constant 0 : i32
          %dma_start3A_505 = arith.constant 0 : i32
          %dma_start3A_506 = arith.constant 0 : i32
          %dma_start3A_507 = tpu.memref_slice %run_scoped3A_74[%rem3A_484, %dma_start3A_503, %dma_start3A_504, %dma_start3A_505, %dma_start3A_506] : memref<2x1x8x8x512xf32, #tpu.memory_space<vmem>> -> memref<1x1x8x8x512xf32, #tpu.memory_space<vmem>>
          %dma_start3A_508 = tpu.memref_squeeze %dma_start3A_507 : memref<1x1x8x8x512xf32, #tpu.memory_space<vmem>> -> memref<1x8x8x512xf32, #tpu.memory_space<vmem>>
          tpu.enqueue_dma source(%dma_start3A_508 : memref<1x8x8x512xf32, #tpu.memory_space<vmem>>) target(%dma_start3A_502 : memref<1x8x8x512xf32, #tpu.memory_space<hbm>>) target_semaphore(%dma_start3A_499 : memref<!tpu.dma_semaphore, #tpu.memory_space<semaphore_mem>>)
          "tpu.trace_stop"() : () -> ()
        } else {
        }
        %and3A_417 = arith.constant true
        %and3A_418 = arith.andi %or3A_413, %and3A_417 : i1
        %add3A_419 = arith.constant 1 : i32
        %add3A_420 = arith.addi %scan3A_266, %add3A_419 : i32
        %select_n3A_421 = arith.select %and3A_418, %add3A_420, %scan3A_266 : i32
        %ne3A_422 = arith.cmpi ne, %add3A_275, %add3A_293 : i32
        %ne3A_423 = arith.cmpi ne, %add3A_276, %add3A_294 : i32
        %or3A_424 = arith.constant false
        %or3A_425 = arith.ori %or3A_424, %ne3A_422 : i1
        %or3A_426 = arith.ori %or3A_425, %ne3A_423 : i1
        %or3A_427 = arith.constant false
        %or3A_428 = arith.ori %or3A_426, %or3A_427 : i1
        %not3A_429 = arith.constant true
        %not3A_430 = arith.xori %eq3A_271, %not3A_429 : i1
        %and3A_431 = arith.andi %or3A_428, %not3A_430 : i1
        %convert_element_type3A_432 = arith.extui %and3A_431 : i1 to i32
        %cond3A_433 = arith.constant 0 : i32
        %cond3A_434 = arith.cmpi ne, %convert_element_type3A_432, %cond3A_433 : i32
        scf.if %cond3A_434 {
        } else {
        }
        %and3A_435 = arith.constant false
        %and3A_436 = arith.andi %and3A_431, %and3A_435 : i1
        %ne3A_437 = arith.cmpi ne, %add3A_275, %add3A_293 : i32
        %ne3A_438 = arith.cmpi ne, %add3A_276, %add3A_294 : i32
        %or3A_439 = arith.constant false
        %or3A_440 = arith.ori %or3A_439, %ne3A_437 : i1
        %or3A_441 = arith.constant false
        %or3A_442 = arith.ori %or3A_440, %or3A_441 : i1
        %or3A_443 = arith.ori %or3A_442, %ne3A_438 : i1
        %or3A_444 = arith.constant false
        %or3A_445 = arith.ori %or3A_443, %or3A_444 : i1
        %not3A_446 = arith.constant true
        %not3A_447 = arith.xori %eq3A_271, %not3A_446 : i1
        %and3A_448 = arith.andi %or3A_445, %not3A_447 : i1
        %convert_element_type3A_449 = arith.extui %and3A_448 : i1 to i32
        %cond3A_450 = arith.constant 0 : i32
        %cond3A_451 = arith.cmpi ne, %convert_element_type3A_449, %cond3A_450 : i32
        scf.if %cond3A_451 {
          "tpu.trace_start"() <{level = 10 : i32, message = "ep_wait_out"}> : () -> ()
          %rem3A_483 = arith.constant 2 : i32
          %rem3A_484 = arith.remui %scan3A_267, %rem3A_483 : i32
          %mul3A_485 = arith.constant 1 : i32
          %mul3A_486 = arith.muli %mul3A_485, %add3A_293 : i32
          %mul3A_487 = arith.constant 8 : i32
          %mul3A_488 = arith.muli %mul3A_487, %add3A_294 : i32
          %dma_wait3A_489 = arith.constant 0 : i32
          %dma_wait3A_490 = arith.constant 0 : i32
          %dma_wait3A_491 = arith.constant 0 : i32
          %dma_wait3A_492 = arith.constant 0 : i32
          %dma_wait3A_493 = tpu.memref_slice %run_scoped3A_74[%rem3A_484, %dma_wait3A_489, %dma_wait3A_490, %dma_wait3A_491, %dma_wait3A_492] : memref<2x1x8x8x512xf32, #tpu.memory_space<vmem>> -> memref<1x1x8x8x512xf32, #tpu.memory_space<vmem>>
          %dma_wait3A_494 = tpu.memref_squeeze %dma_wait3A_493 : memref<1x1x8x8x512xf32, #tpu.memory_space<vmem>> -> memref<1x8x8x512xf32, #tpu.memory_space<vmem>>
          %dma_wait3A_495 = arith.constant 0 : i32
          %dma_wait3A_496 = arith.constant 0 : i32
          %dma_wait3A_497 = tpu.memref_slice %arg4[%mul3A_486, %dma_wait3A_495, %mul3A_488, %dma_wait3A_496] : memref<16x8x512x512xf32, #tpu.memory_space<hbm>> -> memref<1x8x8x512xf32, #tpu.memory_space<hbm>>
          %dma_wait3A_498 = tpu.memref_slice %run_scoped3A_75[%rem3A_484] : memref<2x!tpu.dma_semaphore, #tpu.memory_space<semaphore_mem>> -> memref<1x!tpu.dma_semaphore, #tpu.memory_space<semaphore_mem>>
          %dma_wait3A_499 = tpu.memref_squeeze %dma_wait3A_498 : memref<1x!tpu.dma_semaphore, #tpu.memory_space<semaphore_mem>> -> memref<!tpu.dma_semaphore, #tpu.memory_space<semaphore_mem>>
          %dma_wait3A_500 = arith.constant 0 : i32
          %dma_wait3A_501 = arith.constant 0 : i32
          %dma_wait3A_502 = tpu.memref_slice %arg4[%mul3A_486, %dma_wait3A_500, %mul3A_488, %dma_wait3A_501] : memref<16x8x512x512xf32, #tpu.memory_space<hbm>> -> memref<1x8x8x512xf32, #tpu.memory_space<hbm>>
          %dma_wait3A_503 = arith.constant 0 : i32
          %dma_wait3A_504 = arith.constant 0 : i32
          %dma_wait3A_505 = arith.constant 0 : i32
          %dma_wait3A_506 = arith.constant 0 : i32
          %dma_wait3A_507 = tpu.memref_slice %run_scoped3A_74[%rem3A_484, %dma_wait3A_503, %dma_wait3A_504, %dma_wait3A_505, %dma_wait3A_506] : memref<2x1x8x8x512xf32, #tpu.memory_space<vmem>> -> memref<1x1x8x8x512xf32, #tpu.memory_space<vmem>>
          %dma_wait3A_508 = tpu.memref_squeeze %dma_wait3A_507 : memref<1x1x8x8x512xf32, #tpu.memory_space<vmem>> -> memref<1x8x8x512xf32, #tpu.memory_space<vmem>>
          tpu.wait_dma2 semaphore(%dma_wait3A_499 : memref<!tpu.dma_semaphore, #tpu.memory_space<semaphore_mem>>) src(%dma_wait3A_508 : memref<1x8x8x512xf32, #tpu.memory_space<vmem>>) dst(%dma_wait3A_502 : memref<1x8x8x512xf32, #tpu.memory_space<hbm>>)
          "tpu.trace_stop"() : () -> ()
        } else {
        }
        %and3A_452 = arith.constant true
        %and3A_453 = arith.andi %and3A_448, %and3A_452 : i1
        %add3A_454 = arith.constant 1 : i32
        %add3A_455 = arith.addi %scan3A_267, %add3A_454 : i32
        %select_n3A_456 = arith.select %and3A_453, %add3A_455, %scan3A_267 : i32
        %ne3A_457 = arith.cmpi ne, %add3A_275, %add3A_311 : i32
        %ne3A_458 = arith.cmpi ne, %add3A_276, %add3A_312 : i32
        %or3A_459 = arith.constant false
        %or3A_460 = arith.ori %or3A_459, %ne3A_457 : i1
        %or3A_461 = arith.ori %or3A_460, %ne3A_458 : i1
        %or3A_462 = arith.constant false
        %or3A_463 = arith.ori %or3A_461, %or3A_462 : i1
        %or3A_464 = arith.ori %or3A_463, %eq3A_273 : i1
        %add3A_465 = arith.constant 1 : i32
        %add3A_466 = arith.addi %scan3A_265, %add3A_465 : i32
        %select_n3A_467 = arith.select %or3A_464, %add3A_466, %scan3A_265 : i32
        %add3A_468 = arith.constant 1 : i32
        %add3A_469 = arith.addi %scan3A_269, %add3A_468 : i32
        %select_n3A_470 = arith.constant true
        %select_n3A_471 = arith.select %select_n3A_470, %add3A_469, %scan3A_269 : i32
        %eq3A_472 = arith.constant 2 : i32
        %eq3A_473 = arith.cmpi eq, %select_n3A_471, %eq3A_472 : i32
        %select_n3A_474 = arith.constant 0 : i32
        %select_n3A_475 = arith.select %eq3A_473, %select_n3A_474, %select_n3A_471 : i32
        %add3A_476 = arith.constant 1 : i32
        %add3A_477 = arith.addi %scan3A_268, %add3A_476 : i32
        %select_n3A_478 = arith.select %eq3A_473, %add3A_477, %scan3A_268 : i32
        %eq3A_479 = arith.constant 16 : i32
        %eq3A_480 = arith.cmpi eq, %select_n3A_478, %eq3A_479 : i32
        %select_n3A_481 = arith.constant 0 : i32
        %select_n3A_482 = arith.select %eq3A_480, %select_n3A_481, %select_n3A_478 : i32
        scf.yield %select_n3A_343, %select_n3A_467, %select_n3A_421, %select_n3A_456, %select_n3A_482, %select_n3A_475 : i32, i32, i32, i32, i32, i32
      }
      %scan3A_166 = arith.constant 32 : i32
      %sub3A = arith.constant 1 : i32
      %sub3A_167 = arith.subi %scan3A_165#5, %sub3A : i32
      %select_n3A_168 = arith.constant true
      %select_n3A_169 = arith.select %select_n3A_168, %sub3A_167, %scan3A_165#5 : i32
      %eq3A_170 = arith.constant -1 : i32
      %eq3A_171 = arith.cmpi eq, %select_n3A_169, %eq3A_170 : i32
      %select_n3A_172 = arith.constant 1 : i32
      %select_n3A_173 = arith.select %eq3A_171, %select_n3A_172, %select_n3A_169 : i32
      %sub3A_174 = arith.constant 1 : i32
      %sub3A_175 = arith.subi %scan3A_165#4, %sub3A_174 : i32
      %select_n3A_176 = arith.select %eq3A_171, %sub3A_175, %scan3A_165#4 : i32
      %eq3A_177 = arith.constant -1 : i32
      %eq3A_178 = arith.cmpi eq, %select_n3A_176, %eq3A_177 : i32
      %select_n3A_179 = arith.constant 15 : i32
      %select_n3A_180 = arith.select %eq3A_178, %select_n3A_179, %select_n3A_176 : i32
      %add3A_181 = arith.constant 0 : i32
      %add3A_182 = arith.addi %select_n3A_180, %add3A_181 : i32
      %add3A_183 = arith.addi %select_n3A_173, %mul3A_72 : i32
      %sub3A_184 = arith.constant 1 : i32
      %sub3A_185 = arith.subi %select_n3A_173, %sub3A_184 : i32
      %select_n3A_186 = arith.constant true
      %select_n3A_187 = arith.select %select_n3A_186, %sub3A_185, %select_n3A_173 : i32
      %eq3A_188 = arith.constant -1 : i32
      %eq3A_189 = arith.cmpi eq, %select_n3A_187, %eq3A_188 : i32
      %select_n3A_190 = arith.constant 1 : i32
      %select_n3A_191 = arith.select %eq3A_189, %select_n3A_190, %select_n3A_187 : i32
      %sub3A_192 = arith.constant 1 : i32
      %sub3A_193 = arith.subi %select_n3A_180, %sub3A_192 : i32
      %select_n3A_194 = arith.select %eq3A_189, %sub3A_193, %select_n3A_180 : i32
      %eq3A_195 = arith.constant -1 : i32
      %eq3A_196 = arith.cmpi eq, %select_n3A_194, %eq3A_195 : i32
      %select_n3A_197 = arith.constant 15 : i32
      %select_n3A_198 = arith.select %eq3A_196, %select_n3A_197, %select_n3A_194 : i32
      %add3A_199 = arith.constant 0 : i32
      %add3A_200 = arith.addi %select_n3A_198, %add3A_199 : i32
      %add3A_201 = arith.addi %select_n3A_191, %mul3A_72 : i32
      %add3A_202 = arith.constant 1 : i32
      %add3A_203 = arith.addi %select_n3A_173, %add3A_202 : i32
      %select_n3A_204 = arith.constant true
      %select_n3A_205 = arith.select %select_n3A_204, %add3A_203, %select_n3A_173 : i32
      %eq3A_206 = arith.constant 2 : i32
      %eq3A_207 = arith.cmpi eq, %select_n3A_205, %eq3A_206 : i32
      %select_n3A_208 = arith.constant 0 : i32
      %select_n3A_209 = arith.select %eq3A_207, %select_n3A_208, %select_n3A_205 : i32
      %add3A_210 = arith.constant 1 : i32
      %add3A_211 = arith.addi %select_n3A_180, %add3A_210 : i32
      %select_n3A_212 = arith.select %eq3A_207, %add3A_211, %select_n3A_180 : i32
      %eq3A_213 = arith.constant 16 : i32
      %eq3A_214 = arith.cmpi eq, %select_n3A_212, %eq3A_213 : i32
      %select_n3A_215 = arith.constant 0 : i32
      %select_n3A_216 = arith.select %eq3A_214, %select_n3A_215, %select_n3A_212 : i32
      %add3A_217 = arith.constant 0 : i32
      %add3A_218 = arith.addi %select_n3A_216, %add3A_217 : i32
      %add3A_219 = arith.addi %select_n3A_209, %mul3A_72 : i32
      %add3A_220 = arith.constant 1 : i32
      %add3A_221 = arith.addi %select_n3A_209, %add3A_220 : i32
      %select_n3A_222 = arith.constant true
      %select_n3A_223 = arith.select %select_n3A_222, %add3A_221, %select_n3A_209 : i32
      %eq3A_224 = arith.constant 2 : i32
      %eq3A_225 = arith.cmpi eq, %select_n3A_223, %eq3A_224 : i32
      %select_n3A_226 = arith.constant 0 : i32
      %select_n3A_227 = arith.select %eq3A_225, %select_n3A_226, %select_n3A_223 : i32
      %add3A_228 = arith.constant 1 : i32
      %add3A_229 = arith.addi %select_n3A_216, %add3A_228 : i32
      %select_n3A_230 = arith.select %eq3A_225, %add3A_229, %select_n3A_216 : i32
      %eq3A_231 = arith.constant 16 : i32
      %eq3A_232 = arith.cmpi eq, %select_n3A_230, %eq3A_231 : i32
      %select_n3A_233 = arith.constant 0 : i32
      %select_n3A_234 = arith.select %eq3A_232, %select_n3A_233, %select_n3A_230 : i32
      %add3A_235 = arith.constant 0 : i32
      %add3A_236 = arith.addi %select_n3A_234, %add3A_235 : i32
      %add3A_237 = arith.addi %select_n3A_227, %mul3A_72 : i32
      "tpu.trace_start"() <{level = 10 : i32, message = "ep_finalize"}> : () -> ()
      %rem3A_238 = arith.constant 2 : i32
      %rem3A_239 = arith.remui %scan3A_165#3, %rem3A_238 : i32
      %mul3A_240 = arith.constant 1 : i32
      %mul3A_241 = arith.muli %mul3A_240, %add3A_182 : i32
      %mul3A_242 = arith.constant 8 : i32
      %mul3A_243 = arith.muli %mul3A_242, %add3A_183 : i32
      %dma_wait3A = arith.constant 0 : i32
      %dma_wait3A_244 = arith.constant 0 : i32
      %dma_wait3A_245 = arith.constant 0 : i32
      %dma_wait3A_246 = arith.constant 0 : i32
      %dma_wait3A_247 = tpu.memref_slice %run_scoped3A_74[%rem3A_239, %dma_wait3A, %dma_wait3A_244, %dma_wait3A_245, %dma_wait3A_246] : memref<2x1x8x8x512xf32, #tpu.memory_space<vmem>> -> memref<1x1x8x8x512xf32, #tpu.memory_space<vmem>>
      %dma_wait3A_248 = tpu.memref_squeeze %dma_wait3A_247 : memref<1x1x8x8x512xf32, #tpu.memory_space<vmem>> -> memref<1x8x8x512xf32, #tpu.memory_space<vmem>>
      %dma_wait3A_249 = arith.constant 0 : i32
      %dma_wait3A_250 = arith.constant 0 : i32
      %dma_wait3A_251 = tpu.memref_slice %arg4[%mul3A_241, %dma_wait3A_249, %mul3A_243, %dma_wait3A_250] : memref<16x8x512x512xf32, #tpu.memory_space<hbm>> -> memref<1x8x8x512xf32, #tpu.memory_space<hbm>>
      %dma_wait3A_252 = tpu.memref_slice %run_scoped3A_75[%rem3A_239] : memref<2x!tpu.dma_semaphore, #tpu.memory_space<semaphore_mem>> -> memref<1x!tpu.dma_semaphore, #tpu.memory_space<semaphore_mem>>
      %dma_wait3A_253 = tpu.memref_squeeze %dma_wait3A_252 : memref<1x!tpu.dma_semaphore, #tpu.memory_space<semaphore_mem>> -> memref<!tpu.dma_semaphore, #tpu.memory_space<semaphore_mem>>
      %dma_wait3A_254 = arith.constant 0 : i32
      %dma_wait3A_255 = arith.constant 0 : i32
      %dma_wait3A_256 = tpu.memref_slice %arg4[%mul3A_241, %dma_wait3A_254, %mul3A_243, %dma_wait3A_255] : memref<16x8x512x512xf32, #tpu.memory_space<hbm>> -> memref<1x8x8x512xf32, #tpu.memory_space<hbm>>
      %dma_wait3A_257 = arith.constant 0 : i32
      %dma_wait3A_258 = arith.constant 0 : i32
      %dma_wait3A_259 = arith.constant 0 : i32
      %dma_wait3A_260 = arith.constant 0 : i32
      %dma_wait3A_261 = tpu.memref_slice %run_scoped3A_74[%rem3A_239, %dma_wait3A_257, %dma_wait3A_258, %dma_wait3A_259, %dma_wait3A_260] : memref<2x1x8x8x512xf32, #tpu.memory_space<vmem>> -> memref<1x1x8x8x512xf32, #tpu.memory_space<vmem>>
      %dma_wait3A_262 = tpu.memref_squeeze %dma_wait3A_261 : memref<1x1x8x8x512xf32, #tpu.memory_space<vmem>> -> memref<1x8x8x512xf32, #tpu.memory_space<vmem>>
      tpu.wait_dma2 semaphore(%dma_wait3A_253 : memref<!tpu.dma_semaphore, #tpu.memory_space<semaphore_mem>>) src(%dma_wait3A_262 : memref<1x8x8x512xf32, #tpu.memory_space<vmem>>) dst(%dma_wait3A_256 : memref<1x8x8x512xf32, #tpu.memory_space<hbm>>)
      "tpu.trace_stop"() : () -> ()
      tpu.yield
    }) : () -> ()
    return
  }
}

</mosaic_0001>

<sc_bundles>
// kernel: _edge_encode.3.cloned.1.call-start
scs
__scs_entry_jumppad:
0x0: {  	(pc) =	sbr.rel $0x88, $3  }
0x1: {  	(tag) =	ssettag $0x0;
	lr =	simm.s32 $0x1  }
0x2: {  	[smem:$0x3F9F] =	sst lr;
	_ =	strace $0xD0000000  }
0x3: {  	_ = 	snop  }
0x4: {  	_ = 	snop  }
0x5: {  	_ = 	snop  }
0x6: {  	_ = 	snop  }
0x7: {  	_ = 	snop  }
__scs_overlays_trampoline_lowered:
0x8: {  	[smem:$0x3FAE] =	sst s0  }
0x9: {  	[smem:$0x3FAF] =	sst s1  }
0xa: {  	[smem:$0x3FB0] =	sst s2  }
0xb: {  	[smem:$0x3FB1] =	sst s3  }
0xc: {  	[smem:$0x3FB2] =	sst s4  }
0xd: {  	[smem:$0x3FB3] =	sst s5  }
0xe: {  	[smem:$0x3FB4] =	sst s6  }
0xf: {  	[smem:$0x3FB5] =	sst s7  }
0x10: {  	[smem:$0x3FB6] =	sst s8  }
0x11: {  	[smem:$0x3FB7] =	sst s9;
	s0 =	simm.s32 @!p0 $0x0  }
0x12: {  	s1 =	sld [smem:$0x3F9D];
	s0 =	simm.s32 @p0 $0x1  }
0x13: {  	[smem:$0x3FB8] =	sst s0;
	s0 =	simm.s32 @!p1 $0x0  }
0x14: {  	s2 =	sld [smem:$0x3F9C];
	s0 =	simm.s32 @p1 $0x1  }
0x15: {  	[smem:$0x3FB9] =	sst s0;
	s0 =	simm.s32 @!p2 $0x0  }
0x16: {  	s3 =	sld [smem:$0x3FDB];
	s0 =	simm.s32 @p2 $0x1  }
0x17: {  	s4 =	simm.s32 $0x1BF5;
	[smem:$0x3FBB] =	sst s0  }
0x18: {  	s0 =	sld [smem:$0x3F9E];
	_ =	swait.ge [sflag:s4], $0x0  }
0x19: {  	s7 =	sld [smem:$0x3F9F]  }
0x1a: {  	s8 =	sadd.s32 $0xFFFFE003, lr  }
0x1b: {  	s9 =	sadd.s32 $0xFFFFFEF7, lr;
	s5 =	simm.s32 $0xFFFFFFFF;
	p2 =	slt.u32 s8, $0xFFFFF086  }
0x1c: {  	p1 =	slt.u32 s9, $0xF7A;
	s5 =	simm.s32 @!p2 $0x0  }
0x1d: {  	s5 =	simm.s32 @p1 $0x1;
	p0 =	seq.s32 s7, s2  }
0x1e: {  	s7 =	smul.u32 @!p0 $0xF7A, s2;
	p2 =	seq.s32 @!p0 s5, $0x0  }
0x1f: {  	s9 =	smul.u32 $0xF7A, s1;
	s8 =	simm.s32 @!p0 $0x1BF5;
	p2 =	por !p2, p0  }
0x20: {  	[sflag:s8] =	ssyncset.s32 @!p0 $0xFFFFF086;
	s6 =	sadd.s32 @!p0 s3, s7;
	s7 =	simm.s32 @!p0 $0x108  }
0x21: {  	s3 =	sadd.s32 s3, s9;
	s6 =	sadd.s32 @!p0 $0x88, s6;
	s7 =	simm.s32 @p2 $0x1082  }
0x22: {  	[simem:s7], [sflag:s8] =	dma.local @!p0 [hbm:s6], $0xF7A  }
0x23: {  	s9 =	sor.u32 $0xD0000000, s2;
	s6 =	simm.s32 $0x108;
	_ =	swait.ge @!p0 [sflag:s8], $0x0  }
0x24: {  	s3 =	sadd.s32 $0x88, s3;
	s6 =	simm.s32 @!p1 $0x1082;
	[sflag:s4] =	ssyncset.s32 $0xFFFFF086  }
0x25: {  	[simem:s6], [sflag:s4] =	dma.local [hbm:s3], $0xF7A  }
0x26: {  	[smem:$0x3F9F] =	sst s1;
	(tag) =	ssettag s2;
	_ =	strace s9  }
0x27: {  	s1 =	sld [smem:$0x3FAF]  }
0x28: {  	s2 =	sld [smem:$0x3FB0]  }
0x29: {  	s4 =	sld [smem:$0x3FB2]  }
0x2a: {  	p0 =	seq.s32 s5, $0x0;
	s5 =	sld [smem:$0x3FB3]  }
0x2b: {  	s6 =	sld [smem:$0x3FB4]  }
0x2c: {  	s7 =	sld [smem:$0x3FB5]  }
0x2d: {  	s3 =	simm.s32 $0x108;
	s8 =	sld [smem:$0x3FB6]  }
0x2e: {  	s3 =	simm.s32 @!p0 $0x1082;
	s9 =	sld [smem:$0x3FB7]  }
0x2f: {  	lr =	sadd.s32 s0, s3;
	s0 =	sld [smem:$0x3FAE]  }
0x30: {  	s3 =	sld [smem:$0x3FB1]  }
0x31: {  	[smem:$0x3FBA] =	sst s10  }
0x32: {  	s10 =	sld [smem:$0x3FB8];
	_ =	sdelay $0x3  }
0x33: {  	p0 =	seq.s32 s10, $0x1;
	s10 =	sld [smem:$0x3FBA];
	_ =	sdelay $0x3  }
0x34: {  	[smem:$0x3FBA] =	sst s10  }
0x35: {  	s10 =	sld [smem:$0x3FB9];
	_ =	sdelay $0x3  }
0x36: {  	p1 =	seq.s32 s10, $0x1;
	s10 =	sld [smem:$0x3FBA];
	_ =	sdelay $0x3  }
0x37: {  	[smem:$0x3FBA] =	sst s10  }
0x38: {  	s10 =	sld [smem:$0x3FBB]  }
0x39: {  	_ = 	snop;
	(pc) =	sbr.ind lr, $3  }
0x3a: {  	_ = 	snop  }
0x3b: {  	_ = 	snop  }
0x3c: {  	p2 =	seq.s32 s10, $0x1;
	s10 =	sld [smem:$0x3FBA]  }
0x3d: {  	_ =	shalt  }
0x3e: {  	_ =	shalt  }
0x3f: {  	_ =	shalt  }
0x40: {  	_ =	shalt  }
0x41: {  	_ =	shalt  }
0x42: {  	_ =	shalt  }
0x43: {  	_ =	shalt  }
0x44: {  	_ =	shalt  }
0x45: {  	_ =	shalt  }
0x46: {  	_ =	shalt  }
0x47: {  	_ =	shalt  }
0x48: {  	_ =	shalt  }
0x49: {  	_ =	shalt  }
0x4a: {  	_ =	shalt  }
0x4b: {  	_ =	shalt  }
0x4c: {  	_ =	shalt  }
0x4d: {  	_ =	shalt  }
0x4e: {  	_ =	shalt  }
0x4f: {  	_ =	shalt  }
0x50: {  	_ =	shalt  }
0x51: {  	_ =	shalt  }
0x52: {  	_ =	shalt  }
0x53: {  	_ =	shalt  }
0x54: {  	_ =	shalt  }
0x55: {  	_ =	shalt  }
0x56: {  	_ =	shalt  }
0x57: {  	_ =	shalt  }
0x58: {  	_ =	shalt  }
0x59: {  	_ =	shalt  }
0x5a: {  	_ =	shalt  }
0x5b: {  	_ =	shalt  }
0x5c: {  	_ =	shalt  }
0x5d: {  	_ =	shalt  }
0x5e: {  	_ =	shalt  }
0x5f: {  	_ =	shalt  }
0x60: {  	_ =	shalt  }
0x61: {  	_ =	shalt  }
0x62: {  	_ =	shalt  }
0x63: {  	_ =	shalt  }
0x64: {  	_ =	shalt  }
0x65: {  	_ =	shalt  }
0x66: {  	_ =	shalt  }
0x67: {  	_ =	shalt  }
0x68: {  	_ =	shalt  }
0x69: {  	_ =	shalt  }
0x6a: {  	_ =	shalt  }
0x6b: {  	_ =	shalt  }
0x6c: {  	_ =	shalt  }
0x6d: {  	_ =	shalt  }
0x6e: {  	_ =	shalt  }
0x6f: {  	_ =	shalt  }
0x70: {  	_ =	shalt  }
0x71: {  	_ =	shalt  }
0x72: {  	_ =	shalt  }
0x73: {  	_ =	shalt  }
0x74: {  	_ =	shalt  }
0x75: {  	_ =	shalt  }
0x76: {  	_ =	shalt  }
0x77: {  	_ =	shalt  }
0x78: {  	_ =	shalt  }
0x79: {  	_ =	shalt  }
0x7a: {  	_ =	shalt  }
0x7b: {  	_ =	shalt  }
0x7c: {  	_ =	shalt  }
0x7d: {  	_ =	shalt  }
0x7e: {  	_ =	shalt  }
0x7f: {  	_ =	shalt  }
0x80: {  	_ =	shalt  }
0x81: {  	_ =	shalt  }
0x82: {  	_ =	shalt  }
0x83: {  	_ =	shalt  }
0x84: {  	_ =	shalt  }
0x85: {  	_ =	shalt  }
0x86: {  	_ =	shalt  }
0x87: {  	_ =	shalt  }
.Lfunc_end0:
.L_simem_size_0:
called_computation_lowered:
.L_overlay_start_0:
0x88: {  	s2 =	sld [smem:$0x3FD9]  }
0x89: {  	s3 =	sld [smem:$0x3FFE];
	_ =	sdelay $0x1  }
0x8a: {  	s1 =	srdreg.scid  }
0x8b: {  	s0 =	sand.u32 $0x1, s1  }
0x8c: {  	s17 =	sshll.u32 s0, $0xA;
	s2 =	sadd.s32 s3, s2  }
0x8d: {  	s2 =	sadd.s32 s2, s17  }
0x8e: {  	[smem:$0x3FC6] =	sst s2  }
0x8f: {  	_ = 	snop  }
0x90: {  	s2 =	sld [smem:$0x3FC9]  }
0x91: {  	s18 =	sld [smem:$0x3FD0];
	(tm) =	ssettm $0x1  }
0x92: {  	s4 =	sld [smem:$0x3FFB];
	_ =	sdelay $0x3  }
0x93: {  	_ =	strace s4  }
0x94: {  	s4 =	sld [smem:$0x3FFC];
	_ =	sdelay $0x3  }
0x95: {  	_ =	strace s4  }
0x96: {  	s4 =	sld [smem:$0x3FFD];
	_ =	sdelay $0x3  }
0x97: {  	_ =	strace s4  }
0x98: {  	_ =	strace $0x8FFFFFFF  }
0x99: {  	s19 =	sld [smem:$0x3FDB];
	_ =	sdelay $0x1  }
0x9a: {  	s5 =	simm.s32 $_scs_section_size  }
0x9b: {  	s6 =	simm.s32 $_size__tile_overlayer_lowered;
	s7 =	simm.s32 $_tile_overlayer_lowered  }
0x9c: {  	s22 =	simm.s32 $0x1BFF;
	s21 =	sshll.u32 s7, $0x1;
	s4 =	sadd.s32 s5, s19  }
0x9d: {  	s8 =	simm.s32 $0x0;
	s20 =	sshll.u32 s6, $0x1;
	s6 =	sadd.s32 s21, s4  }
0x9e: {  	[timem:s8], [sflag:s22] =	dma.local [hbm:s6], s20  }
0x9f: {  	_ =	swait.ge [sflag:s22], s20  }
0xa0: {  	s5 =	ssub.s32 $0x0, s20;
	[sflag:s22] =	ssyncset.done $0x0  }
0xa1: {  	[sflag:s22] =	ssyncadd.s32 s5;
	_ =	sdelay $0x1  }
0xa2: {  	s23 =	simm.s32 $0x1B8B  }
0xa3: {  	_ =	swait.ge [sflag:s23], $0x1  }
0xa4: {  	[sflag:s23] =	ssyncset.done $0x0  }
0xa5: {  	s25 =	simm.s32 $0x1B8E;
	s24 =	sld [smem:$0x3FFE];
	[sflag:s23] =	ssyncadd.s32 $0xFFFFFFFF  }
0xa6: {  	s26 =	simm.s32 $execute0_lowered;
	[smem:$0x3FD2] =	sst s25  }
0xa7: {  	s6 =	sshll.u32 s26, $0x1;
	_ =	strace $0x80000046;
	[dreg:$0x1] =	wrdreg $0xFFFFFFFF  }
0xa8: {  	s28 =	simm.s32 $_size_execute0_lowered;
	s4 =	sadd.s32 s4, s6;
	[dreg:$0x0] =	wrdreg $0x0  }
0xa9: {  	s6 =	sshll.u32 s28, $0x1;
	[dreg:$0x2] =	wrdreg s4  }
0xaa: {  	[dreg:$0x3] =	wrdreg s6  }
0xab: {  	[dreg:$0x4] =	wrdreg $0xC0  }
0xac: {  	_ =	task [dreg:s8], $0x5FFFF  }
0xad: {  	[dreg:$0x1] =	wrdreg $0xFFFFFFFF  }
0xae: {  	[dreg:$0x0] =	wrdreg $0x60  }
0xaf: {  	[dreg:$0x2] =	wrdreg s24  }
0xb0: {  	[dreg:$0x3] =	wrdreg s2  }
0xb1: {  	[dreg:$0x4] =	wrdreg s18  }
0xb2: {  	[dreg:$0x5] =	wrdreg $0x9  }
0xb3: {  	_ =	task.clear_ibuf [dreg:s8], $0x6FFFF;
	_ =	strace $0x90000046  }
0xb4: {  	s29 =	simm.s32 $0x9;
	_ =	strace $0x8000004F  }
0xb5: {  	_ =	swait.ge [sflag:s29], $0x1  }
0xb6: {  	[sflag:s29] =	ssyncadd.s32 $0xFFFFFFFF  }
0xb7: {  	_ =	strace $0x9000004F  }
0xb8: {  	_ =	sfence  }
0xb9: {  	s30 =	sld [smem:$0x0];
	_ =	sdelay $0x2  }
0xba: {  	s31 =	sshll.u32 s1, $0xD;
	s1 =	sshrl.u32 s1, $0x2  }
0xbb: {  	s3 =	sand.u32 $0x4000, s31;
	s1 =	sadd.s32 s1, s30  }
0xbc: {  	s0 =	sor.u32 s3, s0;
	s1 =	sshll.u32 s1, $0x11  }
0xbd: {  	s0 =	sor.u32 s1, s0  }
0xbe: {  	s0 =	sadd.s32 $0x8F2B, s0  }
0xbf: {  	[sflag:s0] =	ssyncadd.remote.s32 $0x1  }
0xc0: {  	_ =	sfence.sel $0xFFFF  }
0xc1: {  	[dreg:$0x0] =	wrdreg $0xFFFFFFFF;
	(pc) =	sbr.abs _section_cstart, $3  }
0xc2: {  	[dreg:$0x1] =	wrdreg $0xFFFFFFFF  }
0xc3: {  	_ =	task.clear_ibuf [dreg:s8], $0x2FFFF;
	_ =	strace $0x9FFFFFFF  }
0xc4: {  	(tm) =	ssettm $0x7FFFFFFF  }
0xc5: {  	_ =	shalt  }
tec
execute0_lowered:
.L_overlay_start_1:
0x0: {  	(tag) =	ssettag $0x1  }
0x1: {  	s0 =	rddreg [dreg:$0x0]  }
0x2: {  	s4 =	rddreg [dreg:$0x1];
	s2 =	simm.s32 $0x0;
	s1 =	srdreg.scid  }
0x3: {  	s5 =	stileid.u32;
	s11 =	simm.s32 $0xC00;
	s12 =	simm.s32 $0xC80  }
0x4: {  	s13 =	simm.s32 $0xD00;
	s14 =	simm.s32 $0xD80;
	s15 =	simm.s32 $0xE00  }
0x5: {  	s16 =	simm.s32 $0xE80;
	[smem:$0x7FF] =	sst s2;
	s1 =	sand.u32 $0x1, s1  }
0x6: {  	v0 =	vlaneseq.u32;
	v1 =	vimm.s32 $0x800;
	s0 =	sadd.s32 $0x400, s0;
	s28 =	ssub.s32 $0x2, s1;
	s1 =	sshll.u32 s1, $0x4  }
0x7: {  	v3 =	vimm.s32 $0x801;
	v5 =	vimm.s32 $0x802;
	v0 =	vmul.u32 $0x80, v0;
	_ =	strace $0x80000047;
	[dreg:$0xb] =	wrdreg s0;
	s1 =	sor.u32 s5, s1  }
0x8: {  	v7 =	vimm.s32 $0x803;
	v9 =	vimm.s32 $0x804;
	v11 =	vimm.s32 $0x805;
	s3 =	sshrl.u32 s28, $0x1;
	s30 =	sshll.u32 s1, $0xA;
	s1 =	sshll.u32 s1, $0x1  }
0x9: {  	v13 =	vimm.s32 $0x806;
	v15 =	vimm.s32 $0x807;
	v2 =	vor.u32 $0x1, v0;
	s29 =	ssub.s32 s28, s3;
	[dreg:$0xc] =	wrdreg s1;
	s31 =	sadd.s32 s4, s30  }
0xa: {  	s17 =	simm.s32 $0xF00;
	v4 =	vor.u32 $0x2, v0;
	v6 =	vor.u32 $0x3, v0;
	v8 =	vor.u32 $0x4, v0;
	s0 =	smax.u32 s29, $0x1;
	[dreg:$0xd] =	wrdreg s31  }
0xb: {  	s18 =	simm.s32 $0xF80;
	v10 =	vor.u32 $0x5, v0;
	v12 =	vor.u32 $0x6, v0;
	v14 =	vor.u32 $0x7, v0;
	s1 =	simm.s32 $0x0;
	[dreg:$0xe] =	wrdreg s0  }
.LBB2_1:
0xc: {  	[dreg:$0xf] =	wrdreg s1  }
0xd: {  	s0 =	simm.s32 $0x0;
	s29 =	rddreg [dreg:$0xb];
	s30 =	simm.s32 $0x1  }
0xe: {  	[tilespmem:s0], [sflag:$0x1] =	stream.linear.gather [hbm4b:s29+s0], $0x880, $0x38;
	[tilespmem:$0x13000] =	vst v63  }
0xf: {  	_ =	swait.ge [sflag:s30], $0x880  }
0x10: {  	[sflag:s30] =	ssyncset.done $0x0  }
0x11: {  	[sflag:s30] =	ssyncadd.s32 $0xFFFFF780  }
0x12: {  	v16 =	vld.idx.msk [tilespmem:v0+s0+$0x0], $0xffff;
	_ =	sdelay $0x4  }
0x13: {  	[tilespmem:$0xC00] =	vst v16  }
0x14: {  	v16 =	vld.idx.msk [tilespmem:v1+s0+$0x0], $0xffff;
	_ =	sdelay $0x4  }
0x15: {  	[tilespmem:$0xC10] =	vst v16  }
0x16: {  	v16 =	vld.idx.msk [tilespmem:v2+s0+$0x0], $0xffff;
	_ =	sdelay $0x4  }
0x17: {  	[tilespmem:$0xC80] =	vst v16  }
0x18: {  	v16 =	vld.idx.msk [tilespmem:v3+s0+$0x0], $0xffff;
	_ =	sdelay $0x4  }
0x19: {  	[tilespmem:$0xC90] =	vst v16  }
0x1a: {  	v16 =	vld.idx.msk [tilespmem:v4+s0+$0x0], $0xffff;
	_ =	sdelay $0x4  }
0x1b: {  	[tilespmem:$0xD00] =	vst v16  }
0x1c: {  	v16 =	vld.idx.msk [tilespmem:v5+s0+$0x0], $0xffff;
	_ =	sdelay $0x4  }
0x1d: {  	[tilespmem:$0xD10] =	vst v16  }
0x1e: {  	v16 =	vld.idx.msk [tilespmem:v6+s0+$0x0], $0xffff;
	_ =	sdelay $0x4  }
0x1f: {  	[tilespmem:$0xD80] =	vst v16  }
0x20: {  	v16 =	vld.idx.msk [tilespmem:v7+s0+$0x0], $0xffff;
	_ =	sdelay $0x4  }
0x21: {  	[tilespmem:$0xD90] =	vst v16  }
0x22: {  	v16 =	vld.idx.msk [tilespmem:v8+s0+$0x0], $0xffff;
	_ =	sdelay $0x4  }
0x23: {  	[tilespmem:$0xE00] =	vst v16  }
0x24: {  	v16 =	vld.idx.msk [tilespmem:v9+s0+$0x0], $0xffff;
	_ =	sdelay $0x4  }
0x25: {  	[tilespmem:$0xE10] =	vst v16  }
0x26: {  	v16 =	vld.idx.msk [tilespmem:v10+s0+$0x0], $0xffff;
	_ =	sdelay $0x4  }
0x27: {  	[tilespmem:$0xE80] =	vst v16  }
0x28: {  	v16 =	vld.idx.msk [tilespmem:v11+s0+$0x0], $0xffff;
	_ =	sdelay $0x4  }
0x29: {  	[tilespmem:$0xE90] =	vst v16  }
0x2a: {  	v16 =	vld.idx.msk [tilespmem:v12+s0+$0x0], $0xffff;
	_ =	sdelay $0x4  }
0x2b: {  	[tilespmem:$0xF00] =	vst v16  }
0x2c: {  	v16 =	vld.idx.msk [tilespmem:v13+s0+$0x0], $0xffff;
	_ =	sdelay $0x4  }
0x2d: {  	[tilespmem:$0xF10] =	vst v16  }
0x2e: {  	v16 =	vld.idx.msk [tilespmem:v14+s0+$0x0], $0xffff;
	_ =	sdelay $0x4  }
0x2f: {  	[tilespmem:$0xF80] =	vst v16  }
0x30: {  	v16 =	vld.idx.msk [tilespmem:v15+s0+$0x0], $0xffff;
	_ =	sdelay $0x4  }
0x31: {  	s2 =	simm.s32 $0x1000;
	s8 =	simm.s32 $0x0;
	[tilespmem:$0xF90] =	vst v16  }
0x32: {  	s3 =	simm.s32 $0x0;
	s6 =	simm.s32 $0x0;
	_ =	strace $0x80000048  }
0x33: {  	s7 =	simm.s32 $0x0;
	s4 =	simm.s32 $0x1;
	s31 =	rddreg [dreg:$0xd]  }
0x34: {  	[tilespmem:s2], [sflag:$0x1] =	stream.linear.gather [hbm4b:s31+s0], $0x1000, $0x200038;
	[tilespmem:$0x13000] =	vst v63  }
0x35: {  	s5 =	simm.s32 $0x0;
	s0 =	simm.s32 $0x0;
	_ =	strace $0x90000048  }
.LBB2_2:
0x36: {  	s2 =	sadd.s32 $0x1, s0  }
0x37: {  	s1 =	simm.s32 $0x1;
	p0 =	seq.s32 s2, $0x2  }
0x38: {  	s1 =	simm.s32 @!p0 $0x0  }
0x39: {  	[dreg:$0x11] =	wrdreg s3;
	s3 =	sadd.s32 s1, s8  }
0x3a: {  	p1 =	seq.s32 s3, $0x10  }
0x3b: {  	[dreg:$0x17] =	wrdreg s8;
	s2 =	simm.s32 @p0 $0x0;
	s3 =	simm.s32 @p1 $0x0  }
0x3c: {  	[dreg:$0x15] =	wrdreg s5;
	p5 =	sne.s32 s0, s2;
	p4 =	sne.s32 s8, s3  }
0x3d: {  	p6 =	sne.s32 s5, $0x1F;
	s5 =	rddreg [dreg:$0xc];
	p1 =	por p5, p4  }
0x3e: {  	[dreg:$0x14] =	wrdreg s4;
	p0 =	por !p6, !p1  }
0x3f: {  	[dreg:$0x10] =	wrdreg s2;
	p0 =	por !p0, !p0  }
0x40: {  	[dreg:$0x16] =	wrdreg s3;
	s1 =	sadd.s32 @p0 s5, s2  }
0x41: {  	s2 =	sshll.u32 @p0 s3, $0x12;
	_ =	strace @p0 $0x80000049;
	s1 =	sshll.u32 @p0 s1, $0xC  }
0x42: {  	s3 =	sand.u32 @p0 $0x1, s4;
	s4 =	rddreg [dreg:$0x1];
	s1 =	sadd.s32 @p0 s1, s2  }
0x43: {  	s2 =	sshll.u32 @p0 s3, $0xC;
	s3 =	sadd.s32 @p0 $0x1, s3;
	s1 =	sshrl.u32 @p0 s1, $0x3  }
0x44: {  	s2 =	sadd.s32 @p0 $0x1000, s2;
	s1 =	sadd.s32 @p0 s4, s1;
	s4 =	simm.s32 @p0 $0x0  }
0x45: {  	[tilespmem:s2], [sflag:s3] =	stream.linear.gather @p0 [hbm4b:s1+s4], $0x1000, $0x200038;
	[tilespmem:$0x13000] =	vst v63  }
0x46: {  	s20 =	sand.u32 $0x1, s7;
	_ =	strace @p0 $0x90000049  }
0x47: {  	s21 =	sadd.s32 s5, s0;
	s1 =	sadd.s32 $0x1, s20;
	_ =	strace $0x8000004A  }
0x48: {  	_ =	swait.ge [sflag:s1], $0x1000;
	[dreg:$0x19] =	wrdreg s21  }
0x49: {  	s22 =	sand.u32 $0x1, s6;
	[dreg:$0x12] =	wrdreg s6;
	[sflag:s1] =	ssyncset.done $0x0  }
0x4a: {  	[dreg:$0x13] =	wrdreg s7;
	[sflag:s1] =	ssyncadd.s32 $0xFFFFF000;
	s1 =	sshll.u32 s22, $0xF  }
0x4b: {  	_ =	strace $0x9000004A;
	[dreg:$0x18] =	wrdreg s22;
	s25 =	sor.u32 $0x4000, s1  }
0x4c: {  	s26 =	sor.u32 $0x5000, s1;
	_ =	strace $0x8000004B;
	[dreg:$0x1b] =	wrdreg s25  }
0x4d: {  	s28 =	sor.u32 $0x6000, s1;
	[dreg:$0x1c] =	wrdreg s26  }
0x4e: {  	s29 =	sor.u32 $0x7000, s1;
	[dreg:$0x1d] =	wrdreg s28  }
0x4f: {  	s23 =	sshll.u32 s7, $0xC;
	s30 =	sadd.s32 $0x8000, s1;
	[dreg:$0x1e] =	wrdreg s29  }
0x50: {  	s0 =	sand.u32 $0x1000, s23;
	s31 =	sadd.s32 $0x9000, s1;
	[dreg:$0x1f] =	wrdreg s30  }
0x51: {  	s24 =	sor.u32 $0x3000, s1;
	s1 =	sadd.s32 $0xA000, s1;
	[smem:$0x7FC] =	sst s31  }
0x52: {  	s0 =	sadd.s32 $0x1000, s0;
	[smem:$0x7FD] =	sst s1  }
0x53: {  	v16 =	vmov s0;
	s2 =	simm.s32 $0x0;
	[dreg:$0x1a] =	wrdreg s24;
	v17 =	vmov s24  }
.LBB2_3:
0x54: {  	[smem:$0x7FB] =	sst s2  }
0x55: {  	s0 =	rddreg [dreg:$0x1b]  }
0x56: {  	s6 =	rddreg [dreg:$0x1c]  }
0x57: {  	s7 =	rddreg [dreg:$0x1d]  }
0x58: {  	s8 =	rddreg [dreg:$0x1e]  }
0x59: {  	s9 =	rddreg [dreg:$0x1f]  }
0x5a: {  	s1 =	sshll.u32 s2, $0x7;
	s10 =	sld [smem:$0x7FC]  }
0x5b: {  	s21 =	sld [smem:$0x7FD];
	s0 =	sadd.s32 s1, s0  }
0x5c: {  	s19 =	simm.s32 $0x0;
	[dreg:$0x4] =	wrdreg s0;
	s0 =	sadd.s32 s1, s6  }
0x5d: {  	s20 =	simm.s32 $0x0;
	[dreg:$0x5] =	wrdreg s0;
	s0 =	sadd.s32 s1, s7  }
0x5e: {  	s23 =	sand.u32 $0x40, s19;
	[dreg:$0x6] =	wrdreg s0;
	s0 =	sadd.s32 s1, s8  }
0x5f: {  	s24 =	sand.u32 $0xC00, s20;
	[dreg:$0x7] =	wrdreg s0;
	s0 =	sadd.s32 s1, s9  }
0x60: {  	s22 =	sor.u32 s1, s24;
	[dreg:$0x8] =	wrdreg s0;
	s0 =	sadd.s32 s1, s10  }
0x61: {  	s28 =	sor.u32 $0x30, s23;
	[dreg:$0x9] =	wrdreg s0;
	s0 =	sadd.s32 s1, s21  }
0x62: {  	s26 =	sor.u32 s28, s22;
	[dreg:$0xa] =	wrdreg s0  }
0x63: {  	v25 =	vld.idx.msk [tilespmem:v16+s26+$0x0 ss:$0x1], $0xffff  }
0x64: {  	s25 =	sor.u32 $0x10, s23  }
0x65: {  	s3 =	sor.u32 s25, s22;
	s21 =	sor.u32 $0x20, s23  }
0x66: {  	s5 =	sor.u32 s21, s22;
	v24 =	vld.idx.msk [tilespmem:v16+s3+$0x0 ss:$0x1], $0xffff  }
0x67: {  	s2 =	sor.u32 s23, s22;
	v18 =	vld.idx.msk [tilespmem:v16+s5+$0x0 ss:$0x1], $0xffff  }
0x68: {  	v19 =	vld.idx.msk [tilespmem:v16+s2+$0x0 ss:$0x1], $0xffff;
	_ =	sdelay $0x2  }
0x69: {  	v20 =	vld.idx.msk [tilespmem:v25+s11+$0x0], $0xffff;
	_ =	sdelay $0x2  }
0x6a: {  	v21 =	vld.idx.msk [tilespmem:v24+s11+$0x0], $0xffff  }
0x6b: {  	v22 =	vld.idx.msk [tilespmem:v18+s11+$0x0], $0xffff  }
0x6c: {  	[tilespmem:v17+s26+$0x0 ss:$0x1] =	vst.idx.msk $0xffff, v20;
	v20 =	vld.idx.msk [tilespmem:v19+s11+$0x0], $0xffff;
	_ =	sdelay $0x2  }
0x6d: {  	[tilespmem:v17+s3+$0x0 ss:$0x1] =	vst.idx.msk $0xffff, v21;
	v21 =	vld.idx.msk [tilespmem:v25+s12+$0x0], $0xffff  }
0x6e: {  	s0 =	rddreg [dreg:$0x4];
	v23 =	vld.idx.msk [tilespmem:v24+s12+$0x0], $0xffff;
	[tilespmem:v17+s5+$0x0 ss:$0x1] =	vst.idx.msk $0xffff, v22  }
0x6f: {  	[tilespmem:v17+s2+$0x0 ss:$0x1] =	vst.idx.msk $0xffff, v20;
	v20 =	vld.idx.msk [tilespmem:v18+s12+$0x0], $0xffff  }
0x70: {  	s0 =	sadd.s32 s24, s0  }
0x71: {  	s4 =	sadd.s32 s28, s0  }
0x72: {  	s5 =	sadd.s32 s25, s0;
	[tilespmem:s4+$0x0] =	vst v21;
	v21 =	vld.idx.msk [tilespmem:v19+s12+$0x0], $0xffff  }
0x73: {  	s6 =	sadd.s32 s21, s0;
	[tilespmem:s5+$0x0] =	vst v23;
	v22 =	vld.idx.msk [tilespmem:v25+s13+$0x0], $0xffff  }
0x74: {  	s2 =	rddreg [dreg:$0x5];
	v23 =	vld.idx.msk [tilespmem:v24+s13+$0x0], $0xffff;
	[tilespmem:s6+$0x0] =	vst v20  }
0x75: {  	v20 =	vld.idx.msk [tilespmem:v18+s13+$0x0], $0xffff  }
0x76: {  	s0 =	sadd.s32 s23, s0;
	s2 =	sadd.s32 s24, s2  }
0x77: {  	s29 =	simm.s32 $0x40;
	s7 =	sadd.s32 s28, s2;
	[tilespmem:s0+$0x0] =	vst v21  }
0x78: {  	s22 =	simm.s32 $0x200;
	s8 =	sadd.s32 s25, s2;
	s9 =	sadd.s32 s21, s2;
	v21 =	vld.idx.msk [tilespmem:v19+s13+$0x0], $0xffff;
	[tilespmem:s7+$0x0] =	vst v22  }
0x79: {  	s10 =	sadd.s32 s23, s2;
	s2 =	sand.u32 $0xC00, s22;
	s6 =	sand.u32 $0x40, s29;
	[tilespmem:s8+$0x0] =	vst v23;
	v22 =	vld.idx.msk [tilespmem:v25+s14+$0x0], $0xffff  }
0x7a: {  	s19 =	sor.u32 s1, s2;
	s30 =	sor.u32 $0x30, s6;
	s0 =	rddreg [dreg:$0x6];
	v26 =	vld.idx.msk [tilespmem:v24+s14+$0x0], $0xffff;
	[tilespmem:s9+$0x0] =	vst v20  }
0x7b: {  	s31 =	sor.u32 $0x10, s6;
	s9 =	sor.u32 s30, s19;
	v27 =	vld.idx.msk [tilespmem:v18+s14+$0x0], $0xffff  }
0x7c: {  	s20 =	sor.u32 s31, s19;
	s4 =	sadd.s32 s24, s0;
	v20 =	vld.idx.msk [tilespmem:v16+s9+$0x0 ss:$0x1], $0xffff  }
0x7d: {  	s0 =	sadd.s32 s28, s4;
	[tilespmem:s10+$0x0] =	vst v21;
	v21 =	vld.idx.msk [tilespmem:v16+s20+$0x0 ss:$0x1], $0xffff  }
0x7e: {  	v28 =	vld.idx.msk [tilespmem:v19+s14+$0x0], $0xffff;
	[tilespmem:s0+$0x0] =	vst v22  }
0x7f: {  	s3 =	sor.u32 s6, s19;
	s0 =	sor.u32 $0x20, s6;
	v29 =	vld.idx.msk [tilespmem:v25+s15+$0x0], $0xffff  }
0x80: {  	s8 =	sadd.s32 s25, s4;
	v22 =	vld.idx.msk [tilespmem:v16+s3+$0x0 ss:$0x1], $0xffff;
	s26 =	sor.u32 s0, s19  }
0x81: {  	s10 =	sadd.s32 s21, s4;
	s7 =	rddreg [dreg:$0x7];
	[tilespmem:s8+$0x0] =	vst v26;
	v23 =	vld.idx.msk [tilespmem:v16+s26+$0x0 ss:$0x1], $0xffff  }
0x82: {  	s5 =	sadd.s32 s23, s4;
	s7 =	sadd.s32 s24, s7;
	v26 =	vld.idx.msk [tilespmem:v24+s15+$0x0], $0xffff;
	[tilespmem:s10+$0x0] =	vst v27  }
0x83: {  	s19 =	sadd.s32 s28, s7;
	[tilespmem:s5+$0x0] =	vst v28;
	v27 =	vld.idx.msk [tilespmem:v18+s15+$0x0], $0xffff  }
0x84: {  	v28 =	vld.idx.msk [tilespmem:v19+s15+$0x0], $0xffff;
	[tilespmem:s19+$0x0] =	vst v29  }
0x85: {  	v29 =	vld.idx.msk [tilespmem:v25+s16+$0x0], $0xffff  }
0x86: {  	s4 =	sadd.s32 s25, s7;
	v30 =	vld.idx.msk [tilespmem:v20+s11+$0x0], $0xffff  }
0x87: {  	s5 =	rddreg [dreg:$0x8];
	[tilespmem:s4+$0x0] =	vst v26;
	v26 =	vld.idx.msk [tilespmem:v21+s11+$0x0], $0xffff  }
0x88: {  	s10 =	sadd.s32 s21, s7;
	v31 =	vld.idx.msk [tilespmem:v22+s11+$0x0], $0xffff  }
0x89: {  	s7 =	sadd.s32 s23, s7;
	s5 =	sadd.s32 s24, s5;
	[tilespmem:s10+$0x0] =	vst v27;
	v27 =	vld.idx.msk [tilespmem:v23+s11+$0x0], $0xffff  }
0x8a: {  	s19 =	sadd.s32 s28, s5;
	[tilespmem:s7+$0x0] =	vst v28;
	v28 =	vld.idx.msk [tilespmem:v24+s16+$0x0], $0xffff  }
0x8b: {  	[tilespmem:s19+$0x0] =	vst v29;
	v29 =	vld.idx.msk [tilespmem:v18+s16+$0x0], $0xffff  }
0x8c: {  	[tilespmem:v17+s9+$0x0 ss:$0x1] =	vst.idx.msk $0xffff, v30;
	v30 =	vld.idx.msk [tilespmem:v25+s17+$0x0], $0xffff  }
0x8d: {  	[tilespmem:v17+s20+$0x0 ss:$0x1] =	vst.idx.msk $0xffff, v26;
	v26 =	vld.idx.msk [tilespmem:v20+s12+$0x0], $0xffff  }
0x8e: {  	s4 =	rddreg [dreg:$0x4];
	v32 =	vld.idx.msk [tilespmem:v21+s12+$0x0], $0xffff;
	[tilespmem:v17+s3+$0x0 ss:$0x1] =	vst.idx.msk $0xffff, v31  }
0x8f: {  	s10 =	sadd.s32 s25, s5;
	s7 =	rddreg [dreg:$0x9];
	v31 =	vld.idx.msk [tilespmem:v22+s12+$0x0], $0xffff;
	[tilespmem:v17+s26+$0x0 ss:$0x1] =	vst.idx.msk $0xffff, v27  }
0x90: {  	s3 =	sadd.s32 s24, s7;
	s7 =	sadd.s32 s2, s4;
	s4 =	sadd.s32 s21, s5;
	v27 =	vld.idx.msk [tilespmem:v23+s12+$0x0], $0xffff;
	[tilespmem:s10+$0x0] =	vst v28  }
0x91: {  	s19 =	sadd.s32 s28, s3;
	v28 =	vld.idx.msk [tilespmem:v19+s16+$0x0], $0xffff;
	[tilespmem:s4+$0x0] =	vst v29  }
0x92: {  	s20 =	sadd.s32 s30, s7;
	[tilespmem:s19+$0x0] =	vst v30;
	v30 =	vld.idx.msk [tilespmem:v24+s17+$0x0], $0xffff  }
0x93: {  	s26 =	sadd.s32 s31, s7;
	[tilespmem:s20+$0x0] =	vst v26;
	v33 =	vld.idx.msk [tilespmem:v25+s18+$0x0], $0xffff  }
0x94: {  	s10 =	sadd.s32 s0, s7;
	s7 =	sadd.s32 s6, s7;
	[tilespmem:s26+$0x0] =	vst v32;
	v29 =	vld.idx.msk [tilespmem:v20+s13+$0x0], $0xffff  }
0x95: {  	s19 =	rddreg [dreg:$0x5];
	v32 =	vld.idx.msk [tilespmem:v21+s13+$0x0], $0xffff;
	[tilespmem:s7+$0x0] =	vst v31  }
0x96: {  	s5 =	sadd.s32 s23, s5;
	v25 =	vld.idx.msk [tilespmem:v18+s17+$0x0], $0xffff;
	[tilespmem:s10+$0x0] =	vst v27  }
0x97: {  	s26 =	sadd.s32 s25, s3;
	s20 =	rddreg [dreg:$0xa];
	s4 =	sadd.s32 s2, s19;
	[tilespmem:s5+$0x0] =	vst v28;
	v31 =	vld.idx.msk [tilespmem:v23+s13+$0x0], $0xffff  }
0x98: {  	v27 =	vld.idx.msk [tilespmem:v22+s13+$0x0], $0xffff;
	s9 =	sadd.s32 s30, s4;
	[tilespmem:s26+$0x0] =	vst v30  }
0x99: {  	s7 =	sadd.s32 s24, s20;
	s10 =	sadd.s32 s31, s4;
	v26 =	vld.idx.msk [tilespmem:v19+s17+$0x0], $0xffff;
	[tilespmem:s9+$0x0] =	vst v29  }
0x9a: {  	s24 =	sadd.s32 s23, s3;
	s19 =	sadd.s32 s28, s7;
	s23 =	sadd.s32 s23, s7;
	v24 =	vld.idx.msk [tilespmem:v24+s18+$0x0], $0xffff;
	[tilespmem:s10+$0x0] =	vst v32  }
0x9b: {  	s5 =	sadd.s32 s25, s7;
	s20 =	sadd.s32 s21, s7;
	s26 =	sadd.s32 s0, s4;
	[tilespmem:s19+$0x0] =	vst v33;
	v29 =	vld.idx.msk [tilespmem:v20+s14+$0x0], $0xffff  }
0x9c: {  	s9 =	sadd.s32 s21, s3;
	s3 =	sadd.s32 s6, s4;
	s28 =	rddreg [dreg:$0x6];
	v28 =	vld.idx.msk [tilespmem:v21+s14+$0x0], $0xffff;
	[tilespmem:s26+$0x0] =	vst v31  }
.LBB2_4:
0x9d: {  	s29 =	sadd.s32 $0x40, s29;
	s22 =	sadd.s32 $0x200, s22  }
0x9e: {  	[tilespmem:s3+$0x0] =	vst v27;
	s25 =	sand.u32 $0x40, s29;
	s3 =	sand.u32 $0xC00, s22  }
0x9f: {  	v27 =	vld.idx.msk [tilespmem:v23+s14+$0x0], $0xffff;
	s8 =	sadd.s32 s2, s28;
	s7 =	sor.u32 s1, s3;
	s28 =	sor.u32 $0x10, s25  }
0xa0: {  	v30 =	vld.idx.msk [tilespmem:v22+s14+$0x0], $0xffff;
	[tilespmem:s5+$0x0] =	vst v24;
	s10 =	sor.u32 s28, s7  }
0xa1: {  	[tilespmem:s9+$0x0] =	vst v25;
	v31 =	vld.idx.msk [tilespmem:v16+s10+$0x0 ss:$0x1], $0xffff  }
0xa2: {  	s21 =	sor.u32 $0x30, s25;
	[tilespmem:s24+$0x0] =	vst v26;
	v25 =	vld.idx.msk [tilespmem:v18+s18+$0x0], $0xffff  }
0xa3: {  	s19 =	sadd.s32 s30, s8;
	s9 =	sor.u32 s21, s7;
	v26 =	vld.idx.msk [tilespmem:v19+s18+$0x0], $0xffff  }
0xa4: {  	s26 =	sor.u32 $0x20, s25;
	s5 =	sor.u32 s25, s7;
	v18 =	vmov v23;
	v24 =	vld.idx.msk [tilespmem:v16+s9+$0x0 ss:$0x1], $0xffff;
	[tilespmem:s19+$0x0] =	vst v29;
	s19 =	sadd.s32 s31, s8  }
0xa5: {  	s24 =	sor.u32 s26, s7;
	s7 =	sadd.s32 s6, s8;
	v19 =	vmov v22;
	s8 =	sadd.s32 s0, s8;
	v29 =	vld.idx.msk [tilespmem:v20+s15+$0x0], $0xffff;
	[tilespmem:s19+$0x0] =	vst v28  }
0xa6: {  	v23 =	vld.idx.msk [tilespmem:v16+s24+$0x0 ss:$0x1], $0xffff;
	[tilespmem:s8+$0x0] =	vst v27  }
0xa7: {  	s4 =	rddreg [dreg:$0x7];
	v22 =	vld.idx.msk [tilespmem:v16+s5+$0x0 ss:$0x1], $0xffff;
	[tilespmem:s7+$0x0] =	vst v30  }
0xa8: {  	s4 =	sadd.s32 s2, s4;
	v27 =	vld.idx.msk [tilespmem:v21+s15+$0x0], $0xffff;
	[tilespmem:s20+$0x0] =	vst v25  }
0xa9: {  	s20 =	sadd.s32 s30, s4;
	[tilespmem:s23+$0x0] =	vst v26;
	v25 =	vld.idx.msk [tilespmem:v18+s15+$0x0], $0xffff  }
0xaa: {  	v26 =	vld.idx.msk [tilespmem:v19+s15+$0x0], $0xffff;
	[tilespmem:s20+$0x0] =	vst v29  }
0xab: {  	v28 =	vld.idx.msk [tilespmem:v20+s16+$0x0], $0xffff  }
0xac: {  	s8 =	sadd.s32 s31, s4;
	v30 =	vld.idx.msk [tilespmem:v31+s11+$0x0], $0xffff  }
0xad: {  	s7 =	sadd.s32 s6, s4;
	s4 =	sadd.s32 s0, s4;
	s20 =	rddreg [dreg:$0x8];
	[tilespmem:s8+$0x0] =	vst v27;
	v29 =	vld.idx.msk [tilespmem:v24+s11+$0x0], $0xffff  }
0xae: {  	s23 =	sadd.s32 s2, s20;
	v32 =	vld.idx.msk [tilespmem:v23+s11+$0x0], $0xffff;
	[tilespmem:s4+$0x0] =	vst v25  }
0xaf: {  	v27 =	vld.idx.msk [tilespmem:v22+s11+$0x0], $0xffff;
	s19 =	sadd.s32 s30, s23;
	[tilespmem:s7+$0x0] =	vst v26  }
0xb0: {  	v25 =	vld.idx.msk [tilespmem:v21+s16+$0x0], $0xffff;
	[tilespmem:s19+$0x0] =	vst v28  }
0xb1: {  	v26 =	vld.idx.msk [tilespmem:v18+s16+$0x0], $0xffff;
	[tilespmem:v17+s10+$0x0 ss:$0x1] =	vst.idx.msk $0xffff, v30  }
0xb2: {  	[tilespmem:v17+s9+$0x0 ss:$0x1] =	vst.idx.msk $0xffff, v29;
	v30 =	vld.idx.msk [tilespmem:v31+s12+$0x0], $0xffff  }
0xb3: {  	s8 =	sadd.s32 s0, s23;
	[tilespmem:v17+s24+$0x0 ss:$0x1] =	vst.idx.msk $0xffff, v32;
	v28 =	vld.idx.msk [tilespmem:v20+s17+$0x0], $0xffff  }
0xb4: {  	s4 =	sadd.s32 s6, s23;
	s7 =	sadd.s32 s31, s23;
	s23 =	rddreg [dreg:$0x4];
	[tilespmem:v17+s5+$0x0 ss:$0x1] =	vst.idx.msk $0xffff, v27;
	v29 =	vld.idx.msk [tilespmem:v24+s12+$0x0], $0xffff  }
0xb5: {  	s20 =	rddreg [dreg:$0x9];
	s9 =	sadd.s32 s3, s23;
	v27 =	vld.idx.msk [tilespmem:v23+s12+$0x0], $0xffff;
	[tilespmem:s7+$0x0] =	vst v25  }
0xb6: {  	s5 =	sadd.s32 s2, s20;
	v63 =	vld.idx.msk [tilespmem:v22+s12+$0x0], $0xffff;
	s20 =	sadd.s32 s28, s9;
	[tilespmem:s8+$0x0] =	vst v26  }
0xb7: {  	s19 =	sadd.s32 s30, s5;
	v26 =	vld.idx.msk [tilespmem:v21+s17+$0x0], $0xffff;
	[tilespmem:s20+$0x0] =	vst v30  }
0xb8: {  	s23 =	sadd.s32 s21, s9;
	v25 =	vld.idx.msk [tilespmem:v19+s16+$0x0], $0xffff;
	[tilespmem:s19+$0x0] =	vst v28  }
0xb9: {  	[tilespmem:s23+$0x0] =	vst v29;
	v29 =	vld.idx.msk [tilespmem:v31+s13+$0x0], $0xffff  }
0xba: {  	s7 =	sadd.s32 s26, s9;
	v28 =	vld.idx.msk [tilespmem:v20+s18+$0x0], $0xffff  }
0xbb: {  	p2 =	slt.u32 s29, $0x1C0;
	s24 =	sadd.s32 s6, s5;
	s10 =	sadd.s32 s25, s9;
	[tilespmem:s7+$0x0] =	vst v27;
	v20 =	vmov v24;
	v24 =	vld.idx.msk [tilespmem:v24+s13+$0x0], $0xffff  }
0xbc: {  	s9 =	sadd.s32 s0, s5;
	s8 =	sadd.s32 s31, s5;
	s20 =	rddreg [dreg:$0xa];
	[tilespmem:s10+$0x0] =	vst v63;
	v30 =	vld.idx.msk [tilespmem:v23+s13+$0x0], $0xffff  }
0xbd: {  	s23 =	rddreg [dreg:$0x5];
	v27 =	vld.idx.msk [tilespmem:v22+s13+$0x0], $0xffff;
	[tilespmem:s4+$0x0] =	vst v25;
	s4 =	sadd.s32 s2, s20;
	s2 =	smov.u32 s3  }
.Ltmp0:
0xbe: {  	v25 =	vld.idx.msk [tilespmem:v18+s17+$0x0], $0xffff;
	s20 =	sadd.s32 s2, s23;
	[tilespmem:s8+$0x0] =	vst v26;
	s8 =	sadd.s32 s30, s4;
	(pc) =	sbr.rel @p2 .LBB2_4-.Ltmp0, $4  }
0xbf: {  	s23 =	sadd.s32 s6, s4;
	v26 =	vld.idx.msk [tilespmem:v19+s17+$0x0], $0xffff;
	s5 =	sadd.s32 s31, s4;
	s10 =	sadd.s32 s21, s20;
	[tilespmem:s8+$0x0] =	vst v28  }
0xc0: {  	s6 =	smov.u32 s25;
	s30 =	smov.u32 s21;
	s7 =	sadd.s32 s28, s20;
	[tilespmem:s10+$0x0] =	vst v24;
	v24 =	vld.idx.msk [tilespmem:v21+s18+$0x0], $0xffff  }
0xc1: {  	s31 =	smov.u32 s28;
	s3 =	sadd.s32 s25, s20;
	s19 =	sadd.s32 s26, s20;
	[tilespmem:s7+$0x0] =	vst v29;
	v29 =	vld.idx.msk [tilespmem:v20+s14+$0x0], $0xffff  }
0xc2: {  	s20 =	sadd.s32 s0, s4;
	s28 =	rddreg [dreg:$0x6];
	s0 =	smov.u32 s26;
	[tilespmem:s19+$0x0] =	vst v30;
	v21 =	vmov v31;
	v28 =	vld.idx.msk [tilespmem:v31+s14+$0x0], $0xffff  }
0xc3: {  	_ =	sdelay $0x1  }
0xc4: {  	s1 =	sadd.s32 s2, s28  }
0xc5: {  	s28 =	sadd.s32 s30, s1  }
0xc6: {  	v57 =	vld.idx.msk [tilespmem:v23+s14+$0x0], $0xffff;
	[tilespmem:s28+$0x0] =	vst v29  }
0xc7: {  	[tilespmem:s3+$0x0] =	vst v27;
	s4 =	sadd.s32 s31, s1;
	v29 =	vld.idx.msk [tilespmem:v20+s15+$0x0], $0xffff  }
0xc8: {  	v30 =	vld.idx.msk [tilespmem:v22+s14+$0x0], $0xffff;
	s3 =	rddreg [dreg:$0x7];
	[tilespmem:s4+$0x0] =	vst v28  }
0xc9: {  	v58 =	vld.idx.msk [tilespmem:v21+s15+$0x0], $0xffff  }
0xca: {  	s29 =	sadd.s32 s0, s1;
	s3 =	sadd.s32 s2, s3  }
0xcb: {  	[tilespmem:s29+$0x0] =	vst v57;
	s4 =	sadd.s32 s30, s3  }
0xcc: {  	s1 =	sadd.s32 s6, s1;
	v59 =	vld.idx.msk [tilespmem:v23+s15+$0x0], $0xffff;
	[tilespmem:s4+$0x0] =	vst v29  }
0xcd: {  	[tilespmem:s1+$0x0] =	vst v30;
	s7 =	sadd.s32 s31, s3;
	v29 =	vld.idx.msk [tilespmem:v20+s16+$0x0], $0xffff  }
0xce: {  	v30 =	vld.idx.msk [tilespmem:v22+s15+$0x0], $0xffff;
	s1 =	rddreg [dreg:$0x8];
	[tilespmem:s7+$0x0] =	vst v58  }
0xcf: {  	v27 =	vld.idx.msk [tilespmem:v21+s16+$0x0], $0xffff  }
0xd0: {  	[tilespmem:s9+$0x0] =	vst v25;
	s8 =	sadd.s32 s0, s3;
	s1 =	sadd.s32 s2, s1  }
0xd1: {  	[tilespmem:s8+$0x0] =	vst v59;
	s10 =	sadd.s32 s30, s1  }
0xd2: {  	s3 =	sadd.s32 s6, s3;
	v28 =	vld.idx.msk [tilespmem:v23+s16+$0x0], $0xffff;
	[tilespmem:s10+$0x0] =	vst v29  }
0xd3: {  	[tilespmem:s3+$0x0] =	vst v30;
	s19 =	sadd.s32 s31, s1;
	v29 =	vld.idx.msk [tilespmem:v20+s17+$0x0], $0xffff  }
0xd4: {  	v30 =	vld.idx.msk [tilespmem:v22+s16+$0x0], $0xffff;
	s3 =	rddreg [dreg:$0x9];
	[tilespmem:s19+$0x0] =	vst v27  }
0xd5: {  	[tilespmem:s24+$0x0] =	vst v26;
	v27 =	vld.idx.msk [tilespmem:v21+s17+$0x0], $0xffff  }
0xd6: {  	v18 =	vld.idx.msk [tilespmem:v18+s18+$0x0], $0xffff;
	[tilespmem:s5+$0x0] =	vst v24;
	s21 =	sadd.s32 s0, s1;
	s3 =	sadd.s32 s2, s3  }
0xd7: {  	v19 =	vld.idx.msk [tilespmem:v19+s18+$0x0], $0xffff;
	[tilespmem:s21+$0x0] =	vst v28;
	s22 =	sadd.s32 s30, s3  }
0xd8: {  	s1 =	sadd.s32 s6, s1;
	v28 =	vld.idx.msk [tilespmem:v23+s17+$0x0], $0xffff;
	[tilespmem:s22+$0x0] =	vst v29  }
0xd9: {  	s25 =	sadd.s32 s31, s3;
	s4 =	rddreg [dreg:$0xa];
	[tilespmem:s1+$0x0] =	vst v30;
	v61 =	vld.idx.msk [tilespmem:v20+s18+$0x0], $0xffff  }
0xda: {  	[tilespmem:s25+$0x0] =	vst v27;
	v60 =	vld.idx.msk [tilespmem:v22+s17+$0x0], $0xffff  }
0xdb: {  	[tilespmem:s20+$0x0] =	vst v18;
	v62 =	vld.idx.msk [tilespmem:v21+s18+$0x0], $0xffff  }
0xdc: {  	[tilespmem:s23+$0x0] =	vst v19;
	s26 =	sadd.s32 s0, s3;
	s29 =	sadd.s32 s2, s4  }
0xdd: {  	[tilespmem:s26+$0x0] =	vst v28;
	s2 =	sadd.s32 s30, s29  }
0xde: {  	s28 =	sadd.s32 s6, s3;
	[tilespmem:s2+$0x0] =	vst v61  }
0xdf: {  	s30 =	sadd.s32 s31, s29;
	[tilespmem:s28+$0x0] =	vst v60  }
0xe0: {  	[tilespmem:s30+$0x0] =	vst v62  }
0xe1: {  	s2 =	sld [smem:$0x7FB];
	_ =	sdelay $0x2  }
0xe2: {  	v63 =	vld.idx.msk [tilespmem:v23+s18+$0x0], $0xffff;
	s2 =	sadd.s32 $0x1, s2  }
0xe3: {  	v18 =	vld.idx.msk [tilespmem:v22+s18+$0x0], $0xffff;
	p2 =	sne.s32 s2, $0x8  }
.Ltmp1:
0xe4: {  	_ = 	snop;
	(pc) =	sbr.rel @p2 .LBB2_3-.Ltmp1, $4  }
0xe5: {  	_ = 	snop  }
0xe6: {  	s31 =	sadd.s32 s0, s29  }
0xe7: {  	s1 =	sadd.s32 s6, s29;
	[tilespmem:s31+$0x0] =	vst v63  }
0xe8: {  	[tilespmem:s1+$0x0] =	vst v18  }
0xe9: {  	s5 =	rddreg [dreg:$0x15]  }
0xea: {  	s0 =	rddreg [dreg:$0x17];
	p2 =	seq.s32 s5, $0x1F  }
0xeb: {  	s1 =	rddreg [dreg:$0x19];
	_ =	strace $0x9000004B;
	p1 =	por p2, p1  }
0xec: {  	s0 =	sshll.u32 @p1 s0, $0x15;
	s1 =	sshll.u32 @p1 s1, $0xC;
	_ =	strace @p1 $0x8000004C  }
0xed: {  	s0 =	sadd.s32 @p1 s0, s1;
	s1 =	rddreg [dreg:$0x18]  }
0xee: {  	s2 =	rddreg [dreg:$0x2]  }
0xef: {  	s3 =	simm.s32 @p1 $0x40000;
	s4 =	rddreg [dreg:$0x1a];
	s0 =	sshrl.u32 @p1 s0, $0x3  }
0xf0: {  	s1 =	sadd.s32 @p1 $0x3, s1;
	s0 =	sadd.s32 @p1 s2, s0;
	s2 =	simm.s32 @p1 $0x1000  }
0xf1: {  	[hbm4b:s0+s2] =	stream.strided.scatter @p1 [tilespmem:s4], [sflag:s1], $0x8000, s3, s2, $0x200038;
	[tilespmem:$0x13000] =	vst v63  }
0xf2: {  	s31 =	rddreg [dreg:$0x14];
	s0 =	simm.s32 $0x1  }
0xf3: {  	s2 =	simm.s32 $0x1;
	s0 =	simm.s32 @!p0 $0x0;
	_ =	strace @p1 $0x9000004C  }
0xf4: {  	p0 =	seq.s32 s5, $0x0;
	s4 =	sadd.s32 s0, s31;
	s3 =	rddreg [dreg:$0x11]  }
0xf5: {  	s0 =	simm.s32 $0x1;
	_ =	strace @!p0 $0x8000004D;
	s1 =	sand.u32 @!p0 $0x1, s3  }
0xf6: {  	s0 =	simm.s32 @!p1 $0x0;
	s6 =	rddreg [dreg:$0x12];
	s1 =	sadd.s32 @!p0 $0x3, s1  }
0xf7: {  	p1 =	sne.s32 s5, $0x0;
	s5 =	sadd.s32 $0x1, s5;
	_ =	swait.ge @!p0 [sflag:s1], $0x8000  }
0xf8: {  	s2 =	simm.s32 @!p1 $0x0;
	p1 =	sne.s32 s5, $0x20;
	[sflag:s1] =	ssyncset.done @!p0 $0x0  }
.Ltmp2:
0xf9: {  	[sflag:s1] =	ssyncadd.s32 @!p0 $0xFFFF8000;
	(pc) =	sbr.rel @p1 .LBB2_2-.Ltmp2, $4  }
0xfa: {  	_ =	strace @!p0 $0x9000004D  }
0xfb: {  	s7 =	rddreg [dreg:$0x13]  }
0xfc: {  	s6 =	sadd.s32 s0, s6;
	s8 =	rddreg [dreg:$0x16]  }
0xfd: {  	s3 =	sadd.s32 s2, s3;
	s7 =	sadd.s32 s0, s7;
	s0 =	rddreg [dreg:$0x10]  }
0xfe: {  	_ =	strace $0x8000004E;
	s0 =	simm.s32 $0x4  }
0xff: {  	_ =	swait.ge [sflag:s0], $0x8000  }
0x100: {  	s1 =	rddreg [dreg:$0xf]  }
0x101: {  	s31 =	rddreg [dreg:$0xe];
	s1 =	sadd.s32 $0x1, s1  }
0x102: {  	p0 =	sne.s32 s1, s31  }
.Ltmp3:
0x103: {  	_ = 	snop;
	(pc) =	sbr.rel @p0 .LBB2_1-.Ltmp3, $4  }
0x104: {  	_ = 	snop  }
0x105: {  	[sflag:s0] =	ssyncset.done $0x0  }
0x106: {  	[sflag:s0] =	ssyncadd.s32 $0xFFFF8000  }
0x107: {  	_ =	strace $0x9000004E  }
0x108: {  	_ =	sfence.sel $0x180000  }
0x109: {  	[bflag:$0x0] =	sbarrier.arrive $0xFFFF  }
0x10a: {  	_ =	strace $0x90000047  }
0x10b: {  	s0 =	stileid.u32;
	[bflag:$0x2] =	sbarrier.arrive $0xFFFF  }
0x10c: {  	p0 =	sne.s32 s0, $0x0;
	s0 =	rddreg [dreg:$0x3]  }
0x10d: {  	s0 =	sadd.s32 @!p0 $0x100000, s0  }
0x10e: {  	[sflag:s0] =	ssyncadd.tile.s32 @!p0 $0x1;
	_ =	shalt  }
.Lfunc_end2:
_tile_overlayer_lowered:
.L_overlay_start_2:
0x10f: {  	(tag) =	ssettag $0x2  }
0x110: {  	s0 =	rddreg [dreg:$0x0];
	s2 =	stileid.u32  }
0x111: {  	s1 =	rddreg [dreg:$0x1];
	p0 =	sne.s32 s2, $0x0  }
0x112: {  	s3 =	rddreg [dreg:$0x2];
	[bflag:$0x3] =	sbarrier.arrive $0xFFFF;
	s2 =	simm.s32 @!p0 $0x1C01  }
0x113: {  	[timem:s3], [sflag:s2] =	dma.local @!p0 [hbm:s0], s1  }
0x114: {  	s0 =	simm.s32 @!p0 $0x1  }
0x115: {  	_ =	swait.ge @!p0 [sflag:s0], s1  }
0x116: {  	s1 =	ssub.s32 @!p0 $0x0, s1;
	[sflag:s0] =	ssyncset.done @!p0 $0x0  }
0x117: {  	[sflag:s0] =	ssyncadd.s32 @!p0 s1  }
0x118: {  	[bflag:$0x3] =	sbarrier.arrive $0xFFFF  }
0x119: {  	_ =	shalt  }

</sc_bundles>
